<compile_context>
chip_gen: v7x
topology: tpu7x:2x2x1
jax: 0.10.2.dev20260603
libtpu: 0.0.44.dev20260713+nightly
codegen_flags: <defaults>
</compile_context>

<pallas_src>
import jax
import jax.numpy as jnp
from jax import lax
from jax.experimental import pallas as pl
from jax.experimental.pallas import tpu as pltpu
from jax.experimental.pallas import tpu_sc as plsc

B = 8
N = 8192
Q = 16
G = 32
G3 = G * G * G
NW = 32
PPW = N * B // NW
CHUNK = 128
NCHUNK = PPW // CHUNK
SUB = CHUNK // 16


def _rsqrt(v):
    i = plsc.bitcast(v, jnp.int32)
    i = 0x5F3759DF - (i >> 1)
    y = plsc.bitcast(i, jnp.float32)
    for _ in range(4):
        y = y * (1.5 - 0.5 * v * y * y)
    return y


def _sc_body(pts_hbm, cp_hbm, vox_hbm, quads_hbm, out_hbm,
             px, py, pz, qbuf, coef_v, sumv,
             idxv, gxh, gyh, gzh, gvh,
             rbx, rby, rbz, accv, shared, sem):
    cid = lax.axis_index("c")
    sid = lax.axis_index("s")
    wid = cid * 16 + sid
    b = wid // 4
    p0 = (wid % 4) * PPW

    pltpu.sync_copy(pts_hbm.at[0, b, pl.ds(p0, PPW)], px)
    pltpu.sync_copy(pts_hbm.at[1, b, pl.ds(p0, PPW)], py)
    pltpu.sync_copy(pts_hbm.at[2, b, pl.ds(p0, PPW)], pz)
    pltpu.sync_copy(quads_hbm.at[pl.ds(b * Q * 4, Q * 4)], qbuf)

    lane = lax.iota(jnp.int32, 16)

    def mean_body(i, carry):
        sx, sy, sz = carry
        off = pl.multiple_of(i * 16, 16)
        return (sx + px[pl.ds(off, 16)],
                sy + py[pl.ds(off, 16)],
                sz + pz[pl.ds(off, 16)])

    zero16 = jnp.zeros((16,), jnp.float32)
    sx, sy, sz = lax.fori_loop(0, PPW // 16, mean_body, (zero16, zero16, zero16))
    sumv[pl.ds(0, 16)] = sx
    sumv[pl.ds(16, 16)] = sy
    sumv[pl.ds(32, 16)] = sz
    pltpu.sync_copy(sumv, shared.at[sid])
    plsc.subcore_barrier()
    w0 = (b % 4) * 4
    pltpu.sync_copy(shared.at[w0], sumv)
    s0x, s0y, s0z = sumv[pl.ds(0, 16)], sumv[pl.ds(16, 16)], sumv[pl.ds(32, 16)]
    pltpu.sync_copy(shared.at[w0 + 1], sumv)
    s1x, s1y, s1z = sumv[pl.ds(0, 16)], sumv[pl.ds(16, 16)], sumv[pl.ds(32, 16)]
    pltpu.sync_copy(shared.at[w0 + 2], sumv)
    s2x, s2y, s2z = sumv[pl.ds(0, 16)], sumv[pl.ds(16, 16)], sumv[pl.ds(32, 16)]
    pltpu.sync_copy(shared.at[w0 + 3], sumv)
    s3x, s3y, s3z = sumv[pl.ds(0, 16)], sumv[pl.ds(16, 16)], sumv[pl.ds(32, 16)]
    inv_n = 1.0 / N
    midx = jnp.sum((s0x + s1x) + (s2x + s3x)) * inv_n
    midy = jnp.sum((s0y + s1y) + (s2y + s3y)) * inv_n
    midz = jnp.sum((s0z + s1z) + (s2z + s3z)) * inv_n

    qx = plsc.load_gather(qbuf, [lane * 4 + 1])
    qy = plsc.load_gather(qbuf, [lane * 4 + 2])
    qz = plsc.load_gather(qbuf, [lane * 4 + 3])
    rinv = _rsqrt(qx * qx + qy * qy + qz * qz)
    w = jnp.full((16,), 0.707, jnp.float32)
    x = 0.707 * (qx * rinv)
    y = 0.707 * (qy * rinv)
    z = 0.707 * (qz * rinv)
    m00 = w * w + x * x - y * y - z * z
    m01 = 2.0 * (x * y - w * z)
    m02 = 2.0 * (x * z + w * y)
    m10 = 2.0 * (x * y + w * z)
    m11 = w * w - x * x + y * y - z * z
    m12 = 2.0 * (y * z - w * x)
    m20 = 2.0 * (x * z - w * y)
    m21 = 2.0 * (y * z + w * x)
    m22 = w * w - x * x - y * y + z * z
    t0 = -(m00 * midx + m01 * midy + m02 * midz)
    t1 = -(m10 * midx + m11 * midy + m12 * midz)
    t2 = -(m20 * midx + m21 * midy + m22 * midz)
    lane16 = lane * 16
    for k, vec in enumerate((m00, m01, m02, m10, m11, m12, m20, m21, m22,
                             t0, t1, t2)):
        plsc.store_scatter(coef_v, [lane16 + k], vec)

    wq = (wid % 4) * 4

    def chunk_fire(c, _):
        qb = wq + c // 4
        crow = coef_v[pl.ds(pl.multiple_of(qb * 16, 16), 16)]
        c00 = crow[0]
        c01 = crow[1]
        c02 = crow[2]
        c10 = crow[3]
        c11 = crow[4]
        c12 = crow[5]
        c20 = crow[6]
        c21 = crow[7]
        c22 = crow[8]
        d0 = crow[9]
        d1 = crow[10]
        d2 = crow[11]

        def phase_a(i, _):
            off = pl.multiple_of(c * CHUNK + i * 16, 16)
            vx = px[pl.ds(off, 16)]
            vy = py[pl.ds(off, 16)]
            vz = pz[pl.ds(off, 16)]
            rx = c00 * vx + c01 * vy + c02 * vz + d0
            ry = c10 * vx + c11 * vy + c12 * vz + d1
            rz = c20 * vx + c21 * vy + c22 * vz + d2

            def vceil(t):
                ti = t.astype(jnp.int32)
                tf = ti.astype(jnp.float32)
                return ti + jnp.where(t > tf, 1, 0).astype(jnp.int32)

            ix = vceil((rx + 0.5) * G - 0.5)
            iy = vceil((ry + 0.5) * G - 0.5)
            iz = vceil((rz + 0.5) * G - 0.5)
            ind = ix * (G * G) + iy * G + iz
            ind = jnp.minimum(jnp.maximum(ind, 0), G3 - 1)
            rbx[pl.ds(off, 16)] = rx
            rby[pl.ds(off, 16)] = ry
            rbz[pl.ds(off, 16)] = rz
            idxv[c, pl.ds(pl.multiple_of(i * 16, 16), 16)] = ind
            return 0

        lax.fori_loop(0, SUB, phase_a, 0)
        pltpu.async_copy(cp_hbm.at[0, b].at[idxv.at[c]], gxh.at[c], sem)
        pltpu.async_copy(cp_hbm.at[1, b].at[idxv.at[c]], gyh.at[c], sem)
        pltpu.async_copy(cp_hbm.at[2, b].at[idxv.at[c]], gzh.at[c], sem)
        pltpu.async_copy(vox_hbm.at[b].at[idxv.at[c]], gvh.at[c], sem)
        return 0

    lax.fori_loop(0, NCHUNK, chunk_fire, 0)

    def chunk_drain(c, acc):
        pltpu.make_async_copy(cp_hbm.at[0, b].at[idxv.at[c]], gxh.at[c], sem).wait()
        pltpu.make_async_copy(cp_hbm.at[1, b].at[idxv.at[c]], gyh.at[c], sem).wait()
        pltpu.make_async_copy(cp_hbm.at[2, b].at[idxv.at[c]], gzh.at[c], sem).wait()
        pltpu.make_async_copy(vox_hbm.at[b].at[idxv.at[c]], gvh.at[c], sem).wait()

        def phase_c(i, acc):
            off = pl.multiple_of(c * CHUNK + i * 16, 16)
            soff = pl.multiple_of(i * 16, 16)
            m = 1.0 - gvh[c, pl.ds(soff, 16)]
            dx = (rbx[pl.ds(off, 16)] - gxh[c, pl.ds(soff, 16)]) * m
            dy = (rby[pl.ds(off, 16)] - gyh[c, pl.ds(soff, 16)]) * m
            dz = (rbz[pl.ds(off, 16)] - gzh[c, pl.ds(soff, 16)]) * m
            return acc + (dx * dx + dy * dy + dz * dz)

        return lax.fori_loop(0, SUB, phase_c, acc)

    acc = lax.fori_loop(0, NCHUNK, chunk_drain, jnp.zeros((16,), jnp.float32))

    accv[pl.ds(0, 16)] = acc
    for r in range(1, 8):
        accv[pl.ds(r * 16, 16)] = zero16
    pltpu.sync_copy(accv, out_hbm.at[wid])


def _tc_reduce_body(x_ref, o_ref):
    o_ref[0, 0] = jnp.sum(x_ref[...]) * (1.0 / (B * N))


def kernel(voxel, points, closest_points, quads):
    pts_cm = points.transpose(2, 0, 1)
    cp_cm = closest_points.transpose(2, 0, 1)
    vox_2d = voxel.reshape(B, G3)
    quads_flat = quads.reshape(B * Q * 4)

    mesh = plsc.VectorSubcoreMesh(core_axis_name="c", subcore_axis_name="s")
    partials = pl.kernel(
        _sc_body,
        out_type=jax.ShapeDtypeStruct((NW, 128), jnp.float32),
        mesh=mesh,
        compiler_params=pltpu.CompilerParams(
            use_tc_tiling_on_sc=False, needs_layout_passes=False),
        scratch_types=[
            pltpu.VMEM((PPW,), jnp.float32),
            pltpu.VMEM((PPW,), jnp.float32),
            pltpu.VMEM((PPW,), jnp.float32),
            pltpu.VMEM((Q * 4,), jnp.float32),
            pltpu.VMEM((Q * 16,), jnp.float32),
            pltpu.VMEM((48,), jnp.float32),
            pltpu.VMEM((NCHUNK, CHUNK), jnp.int32),
            pltpu.VMEM((NCHUNK, CHUNK), jnp.float32),
            pltpu.VMEM((NCHUNK, CHUNK), jnp.float32),
            pltpu.VMEM((NCHUNK, CHUNK), jnp.float32),
            pltpu.VMEM((NCHUNK, CHUNK), jnp.float32),
            pltpu.VMEM((PPW,), jnp.float32),
            pltpu.VMEM((PPW,), jnp.float32),
            pltpu.VMEM((PPW,), jnp.float32),
            pltpu.VMEM((128,), jnp.float32),
            pltpu.VMEM_SHARED((16, 48), jnp.float32),
            pltpu.SemaphoreType.DMA,
        ],
    )(pts_cm, cp_cm, vox_2d, quads_flat)

    total = pl.pallas_call(
        _tc_reduce_body,
        out_shape=jax.ShapeDtypeStruct((1, 1), jnp.float32),
        out_specs=pl.BlockSpec(memory_space=pltpu.SMEM),
    )(partials)
    return total[0, 0]

# --- scband reference (transcript-rebuilt; emitter-appended) ---
"""Pipeline reference for scband-sym-quad-loss-18760417149452 (READ-ONLY COPY).

The authoritative reference and input builder live on the scoring server;
editing this copy changes nothing except your own understanding.
"""

import jax, jax.numpy as jnp
import numpy as np


def hamilton_product(q1, q2):
    w1, x1, y1, z1 = q1[..., 0], q1[..., 1], q1[..., 2], q1[..., 3]
    w2, x2, y2, z2 = q2[..., 0], q2[..., 1], q2[..., 2], q2[..., 3]
    w = w1 * w2 - x1 * x2 - y1 * y2 - z1 * z2
    x = w1 * x2 + x1 * w2 + y1 * z2 - z1 * y2
    y = w1 * y2 - x1 * z2 + y1 * w2 + z1 * x2
    z = w1 * z2 + x1 * y2 - y1 * x2 + z1 * w2
    return jnp.stack((w, x, y, z), axis=-1)


def quat_conjugate(q):
    return jnp.concatenate([q[..., :1], -q[..., 1:]], axis=-1)


def quat_rotate_vector(q, v):
    q_v = jnp.concatenate((jnp.zeros_like(v[..., :1]), v), axis=-1)
    q_conj = quat_conjugate(q)
    v_rot = hamilton_product(hamilton_product(q, q_v), q_conj)
    return v_rot[..., 1:]


def sym_quad_tran(points, quads):
    Q = quads.shape[1]
    N = points.shape[1]
    B = quads.shape[0]
    qs = quads[..., 1:]
    qs_norm = jnp.linalg.norm(qs, ord=2, axis=2, keepdims=True)
    qs = qs / qs_norm
    qs = jnp.concatenate([jnp.ones((B, Q, 1), dtype=jnp.float32), qs], axis=-1)
    qs = 0.707 * qs
    qs = jnp.broadcast_to(qs[:, :, None, :], (B, Q, N, 4))
    mid_point = jnp.mean(points, axis=1)  # [B, 3]
    # faithful to torch: tile then reshape (interleaves N/Q axes like .repeat().view())
    pts = jnp.tile(points[:, :, None, :], (1, 1, Q, 1)).reshape(B, Q, N, 3)
    mid_t = jnp.tile(mid_point[None, :, None, :], (1, 1, Q, N)).reshape(B, Q, N, 3)
    pts = pts - mid_t
    pts = quat_rotate_vector(qs, pts)
    return pts


def setup_inputs(seed: int = 0) -> dict:
    key = jax.random.key(seed)
    k1, k2, k3, k4 = jax.random.split(key, 4)
    voxel = jax.random.uniform(k1, (8, 32, 32, 32), dtype=jnp.float32)
    points = jax.random.uniform(k2, (8, 8192, 3), dtype=jnp.float32)
    closest_points = jax.random.normal(k3, (8, 32768, 3), dtype=jnp.float32)
    quads = jax.random.normal(k4, (8, 16, 4), dtype=jnp.float32)
    return {"voxel": voxel, "points": points, "closest_points": closest_points, "quads": quads}


def reference(voxel, points, closest_points, quads):
    Q = quads.shape[1]
    B = quads.shape[0]
    pts = sym_quad_tran(points, quads)  # [B, Q, N, 3]
    G = voxel.shape[1]
    idx = jnp.ceil((pts + 0.5) * G - 0.5).astype(jnp.int32)
    indexs = idx[..., 0] * (G ** 2) + idx[..., 1] * G + idx[..., 2]
    indexs = jnp.clip(indexs, 0, G ** 3 - 1)
    b_idx = jnp.arange(B)[:, None, None]
    cp = closest_points[b_idx, indexs, :]  # gather -> [B, Q, N, 3]
    voxel_flat = voxel.reshape(B, -1)
    mask = 1.0 - voxel_flat[b_idx, indexs]  # [B, Q, N]
    distance = (pts - cp) * mask[..., None]
    return jnp.mean(jnp.sum(distance ** 2, axis=3))

if __name__ == "__main__":
    import jax
    _d = setup_inputs()
    print(jax.jit(kernel)(*tuple(_d.values())))

</pallas_src>

<mosaic_0001>
#map = affine_map<(d0, d1) -> (0, 0, 0)>
#map1 = affine_map<(d0, d1) -> (0, 0)>
#map2 = affine_map<(d0, d1) -> (0)>
module attributes {stable_mosaic.version = 14 : i64} {
  func.func @_sc_body(%arg0: i32, %arg1: i32, %arg2: memref<3x8x8192xf32, #tpu.memory_space<hbm>>, %arg3: memref<3x8x32768xf32, #tpu.memory_space<hbm>>, %arg4: memref<8x32768xf32, #tpu.memory_space<hbm>>, %arg5: memref<512xf32, #tpu.memory_space<hbm>>, %arg6: memref<32x128xf32, #tpu.memory_space<hbm>>, %arg7: memref<2048xf32, #tpu.memory_space<vmem>>, %arg8: memref<2048xf32, #tpu.memory_space<vmem>>, %arg9: memref<2048xf32, #tpu.memory_space<vmem>>, %arg10: memref<64xf32, #tpu.memory_space<vmem>>, %arg11: memref<256xf32, #tpu.memory_space<vmem>>, %arg12: memref<48xf32, #tpu.memory_space<vmem>>, %arg13: memref<16x128xi32, #tpu.memory_space<vmem>>, %arg14: memref<16x128xf32, #tpu.memory_space<vmem>>, %arg15: memref<16x128xf32, #tpu.memory_space<vmem>>, %arg16: memref<16x128xf32, #tpu.memory_space<vmem>>, %arg17: memref<16x128xf32, #tpu.memory_space<vmem>>, %arg18: memref<2048xf32, #tpu.memory_space<vmem>>, %arg19: memref<2048xf32, #tpu.memory_space<vmem>>, %arg20: memref<2048xf32, #tpu.memory_space<vmem>>, %arg21: memref<128xf32, #tpu.memory_space<vmem>>, %arg22: memref<16x48xf32, #tpu.memory_space<vmem_shared>>, %arg23: memref<!tpu.dma_semaphore, #tpu.memory_space<semaphore_mem>>) attributes {dimension_semantics = [#tpu.dimension_semantics<core_parallel>, #tpu.dimension_semantics<subcore_parallel>], iteration_bounds = array<i64: 2, 16>, scalar_prefetch = 0 : i64, scratch_operands = 17 : i64, tpu.core_type = #tpu.core_type<sc_vector_subcore>, window_params = [{transform_indices = #map}, {transform_indices = #map}, {transform_indices = #map1}, {transform_indices = #map2}, {transform_indices = #map1}]} {
    %mul3A = arith.constant 16 : i32
    %mul3A_0 = arith.muli %arg0, %mul3A : i32
    %add3A = arith.addi %mul3A_0, %arg1 : i32
    %jit3A = arith.constant 4 : i32
    %div3A = arith.divsi %add3A, %jit3A : i32
    %sign3A = arith.constant 0 : i32
    %sign3A_1 = arith.cmpi sgt, %add3A, %sign3A : i32
    %sign3A_2 = arith.extui %sign3A_1 : i1 to i32
    %sign3A_3 = arith.constant 0 : i32
    %sign3A_4 = arith.cmpi slt, %add3A, %sign3A_3 : i32
    %sign3A_5 = arith.extui %sign3A_4 : i1 to i32
    %sign3A_6 = arith.subi %sign3A_2, %sign3A_5 : i32
    %sign3A_7 = arith.constant 0 : i32
    %sign3A_8 = arith.cmpi sgt, %jit3A, %sign3A_7 : i32
    %sign3A_9 = arith.extui %sign3A_8 : i1 to i32
    %sign3A_10 = arith.constant 0 : i32
    %sign3A_11 = arith.cmpi slt, %jit3A, %sign3A_10 : i32
    %sign3A_12 = arith.extui %sign3A_11 : i1 to i32
    %sign3A_13 = arith.subi %sign3A_9, %sign3A_12 : i32
    %ne3A = arith.cmpi ne, %sign3A_6, %sign3A_13 : i32
    %rem3A = arith.remsi %add3A, %jit3A : i32
    %ne3A_14 = arith.constant 0 : i32
    %ne3A_15 = arith.cmpi ne, %rem3A, %ne3A_14 : i32
    %and3A = arith.andi %ne3A, %ne3A_15 : i1
    %sub3A = arith.constant 1 : i32
    %sub3A_16 = arith.subi %div3A, %sub3A : i32
    %select_n3A = arith.select %and3A, %sub3A_16, %div3A : i32
    %jit3A_17 = arith.constant 4 : i32
    %eq3A = arith.constant 0 : i32
    %eq3A_18 = arith.cmpi eq, %jit3A_17, %eq3A : i32
    %jit3A_19 = arith.constant 1 : i32
    %select_n3A_20 = arith.select %eq3A_18, %jit3A_19, %jit3A_17 : i32
    %rem3A_21 = arith.remsi %add3A, %select_n3A_20 : i32
    %ne3A_22 = arith.constant 0 : i32
    %ne3A_23 = arith.cmpi ne, %rem3A_21, %ne3A_22 : i32
    %lt3A = arith.constant 0 : i32
    %lt3A_24 = arith.cmpi slt, %rem3A_21, %lt3A : i32
    %lt3A_25 = arith.constant 0 : i32
    %lt3A_26 = arith.cmpi slt, %select_n3A_20, %lt3A_25 : i32
    %ne3A_27 = arith.xori %lt3A_24, %lt3A_26 : i1
    %and3A_28 = arith.andi %ne3A_27, %ne3A_23 : i1
    %add3A_29 = arith.addi %rem3A_21, %select_n3A_20 : i32
    %select_n3A_30 = arith.select %and3A_28, %add3A_29, %rem3A_21 : i32
    %mul3A_31 = arith.constant 2048 : i32
    %mul3A_32 = arith.muli %select_n3A_30, %mul3A_31 : i32
    %run_scoped3A = arith.constant 0 : i32
    "tpu.region"() ({
      %run_scoped3A_381 = tpu.sem_alloc : memref<!tpu.dma_semaphore, #tpu.memory_space<semaphore_mem>>
      %dma_start3A = tpu.memref_slice %arg2[%run_scoped3A, %select_n3A, %mul3A_32] : memref<3x8x8192xf32, #tpu.memory_space<hbm>> -> memref<1x1x2048xf32, #tpu.memory_space<hbm>>
      %dma_start3A_382 = tpu.memref_squeeze %dma_start3A : memref<1x1x2048xf32, #tpu.memory_space<hbm>> -> memref<2048xf32, #tpu.memory_space<hbm>>
      %dma_start3A_383 = tpu.memref_slice %arg2[%run_scoped3A, %select_n3A, %mul3A_32] : memref<3x8x8192xf32, #tpu.memory_space<hbm>> -> memref<1x1x2048xf32, #tpu.memory_space<hbm>>
      %dma_start3A_384 = tpu.memref_squeeze %dma_start3A_383 : memref<1x1x2048xf32, #tpu.memory_space<hbm>> -> memref<2048xf32, #tpu.memory_space<hbm>>
      tpu.enqueue_dma source(%dma_start3A_384 : memref<2048xf32, #tpu.memory_space<hbm>>) target(%arg7 : memref<2048xf32, #tpu.memory_space<vmem>>) target_semaphore(%run_scoped3A_381 : memref<!tpu.dma_semaphore, #tpu.memory_space<semaphore_mem>>)
      %dma_wait3A = tpu.memref_slice %arg2[%run_scoped3A, %select_n3A, %mul3A_32] : memref<3x8x8192xf32, #tpu.memory_space<hbm>> -> memref<1x1x2048xf32, #tpu.memory_space<hbm>>
      %dma_wait3A_385 = tpu.memref_squeeze %dma_wait3A : memref<1x1x2048xf32, #tpu.memory_space<hbm>> -> memref<2048xf32, #tpu.memory_space<hbm>>
      %dma_wait3A_386 = tpu.memref_slice %arg2[%run_scoped3A, %select_n3A, %mul3A_32] : memref<3x8x8192xf32, #tpu.memory_space<hbm>> -> memref<1x1x2048xf32, #tpu.memory_space<hbm>>
      %dma_wait3A_387 = tpu.memref_squeeze %dma_wait3A_386 : memref<1x1x2048xf32, #tpu.memory_space<hbm>> -> memref<2048xf32, #tpu.memory_space<hbm>>
      tpu.wait_dma2 semaphore(%run_scoped3A_381 : memref<!tpu.dma_semaphore, #tpu.memory_space<semaphore_mem>>) src(%dma_wait3A_387 : memref<2048xf32, #tpu.memory_space<hbm>>) dst(%arg7 : memref<2048xf32, #tpu.memory_space<vmem>>)
      tpu.yield
    }) : () -> ()
    %run_scoped3A_33 = arith.constant 1 : i32
    "tpu.region"() ({
      %run_scoped3A_381 = tpu.sem_alloc : memref<!tpu.dma_semaphore, #tpu.memory_space<semaphore_mem>>
      %dma_start3A = tpu.memref_slice %arg2[%run_scoped3A_33, %select_n3A, %mul3A_32] : memref<3x8x8192xf32, #tpu.memory_space<hbm>> -> memref<1x1x2048xf32, #tpu.memory_space<hbm>>
      %dma_start3A_382 = tpu.memref_squeeze %dma_start3A : memref<1x1x2048xf32, #tpu.memory_space<hbm>> -> memref<2048xf32, #tpu.memory_space<hbm>>
      %dma_start3A_383 = tpu.memref_slice %arg2[%run_scoped3A_33, %select_n3A, %mul3A_32] : memref<3x8x8192xf32, #tpu.memory_space<hbm>> -> memref<1x1x2048xf32, #tpu.memory_space<hbm>>
      %dma_start3A_384 = tpu.memref_squeeze %dma_start3A_383 : memref<1x1x2048xf32, #tpu.memory_space<hbm>> -> memref<2048xf32, #tpu.memory_space<hbm>>
      tpu.enqueue_dma source(%dma_start3A_384 : memref<2048xf32, #tpu.memory_space<hbm>>) target(%arg8 : memref<2048xf32, #tpu.memory_space<vmem>>) target_semaphore(%run_scoped3A_381 : memref<!tpu.dma_semaphore, #tpu.memory_space<semaphore_mem>>)
      %dma_wait3A = tpu.memref_slice %arg2[%run_scoped3A_33, %select_n3A, %mul3A_32] : memref<3x8x8192xf32, #tpu.memory_space<hbm>> -> memref<1x1x2048xf32, #tpu.memory_space<hbm>>
      %dma_wait3A_385 = tpu.memref_squeeze %dma_wait3A : memref<1x1x2048xf32, #tpu.memory_space<hbm>> -> memref<2048xf32, #tpu.memory_space<hbm>>
      %dma_wait3A_386 = tpu.memref_slice %arg2[%run_scoped3A_33, %select_n3A, %mul3A_32] : memref<3x8x8192xf32, #tpu.memory_space<hbm>> -> memref<1x1x2048xf32, #tpu.memory_space<hbm>>
      %dma_wait3A_387 = tpu.memref_squeeze %dma_wait3A_386 : memref<1x1x2048xf32, #tpu.memory_space<hbm>> -> memref<2048xf32, #tpu.memory_space<hbm>>
      tpu.wait_dma2 semaphore(%run_scoped3A_381 : memref<!tpu.dma_semaphore, #tpu.memory_space<semaphore_mem>>) src(%dma_wait3A_387 : memref<2048xf32, #tpu.memory_space<hbm>>) dst(%arg8 : memref<2048xf32, #tpu.memory_space<vmem>>)
      tpu.yield
    }) : () -> ()
    %run_scoped3A_34 = arith.constant 2 : i32
    "tpu.region"() ({
      %run_scoped3A_381 = tpu.sem_alloc : memref<!tpu.dma_semaphore, #tpu.memory_space<semaphore_mem>>
      %dma_start3A = tpu.memref_slice %arg2[%run_scoped3A_34, %select_n3A, %mul3A_32] : memref<3x8x8192xf32, #tpu.memory_space<hbm>> -> memref<1x1x2048xf32, #tpu.memory_space<hbm>>
      %dma_start3A_382 = tpu.memref_squeeze %dma_start3A : memref<1x1x2048xf32, #tpu.memory_space<hbm>> -> memref<2048xf32, #tpu.memory_space<hbm>>
      %dma_start3A_383 = tpu.memref_slice %arg2[%run_scoped3A_34, %select_n3A, %mul3A_32] : memref<3x8x8192xf32, #tpu.memory_space<hbm>> -> memref<1x1x2048xf32, #tpu.memory_space<hbm>>
      %dma_start3A_384 = tpu.memref_squeeze %dma_start3A_383 : memref<1x1x2048xf32, #tpu.memory_space<hbm>> -> memref<2048xf32, #tpu.memory_space<hbm>>
      tpu.enqueue_dma source(%dma_start3A_384 : memref<2048xf32, #tpu.memory_space<hbm>>) target(%arg9 : memref<2048xf32, #tpu.memory_space<vmem>>) target_semaphore(%run_scoped3A_381 : memref<!tpu.dma_semaphore, #tpu.memory_space<semaphore_mem>>)
      %dma_wait3A = tpu.memref_slice %arg2[%run_scoped3A_34, %select_n3A, %mul3A_32] : memref<3x8x8192xf32, #tpu.memory_space<hbm>> -> memref<1x1x2048xf32, #tpu.memory_space<hbm>>
      %dma_wait3A_385 = tpu.memref_squeeze %dma_wait3A : memref<1x1x2048xf32, #tpu.memory_space<hbm>> -> memref<2048xf32, #tpu.memory_space<hbm>>
      %dma_wait3A_386 = tpu.memref_slice %arg2[%run_scoped3A_34, %select_n3A, %mul3A_32] : memref<3x8x8192xf32, #tpu.memory_space<hbm>> -> memref<1x1x2048xf32, #tpu.memory_space<hbm>>
      %dma_wait3A_387 = tpu.memref_squeeze %dma_wait3A_386 : memref<1x1x2048xf32, #tpu.memory_space<hbm>> -> memref<2048xf32, #tpu.memory_space<hbm>>
      tpu.wait_dma2 semaphore(%run_scoped3A_381 : memref<!tpu.dma_semaphore, #tpu.memory_space<semaphore_mem>>) src(%dma_wait3A_387 : memref<2048xf32, #tpu.memory_space<hbm>>) dst(%arg9 : memref<2048xf32, #tpu.memory_space<vmem>>)
      tpu.yield
    }) : () -> ()
    %mul3A_35 = arith.constant 16 : i32
    %mul3A_36 = arith.muli %select_n3A, %mul3A_35 : i32
    %mul3A_37 = arith.constant 4 : i32
    %mul3A_38 = arith.muli %mul3A_36, %mul3A_37 : i32
    "tpu.region"() ({
      %run_scoped3A_381 = tpu.sem_alloc : memref<!tpu.dma_semaphore, #tpu.memory_space<semaphore_mem>>
      %dma_start3A = tpu.memref_slice %arg5[%mul3A_38] : memref<512xf32, #tpu.memory_space<hbm>> -> memref<64xf32, #tpu.memory_space<hbm>>
      %dma_start3A_382 = tpu.memref_slice %arg5[%mul3A_38] : memref<512xf32, #tpu.memory_space<hbm>> -> memref<64xf32, #tpu.memory_space<hbm>>
      tpu.enqueue_dma source(%dma_start3A_382 : memref<64xf32, #tpu.memory_space<hbm>>) target(%arg10 : memref<64xf32, #tpu.memory_space<vmem>>) target_semaphore(%run_scoped3A_381 : memref<!tpu.dma_semaphore, #tpu.memory_space<semaphore_mem>>)
      %dma_wait3A = tpu.memref_slice %arg5[%mul3A_38] : memref<512xf32, #tpu.memory_space<hbm>> -> memref<64xf32, #tpu.memory_space<hbm>>
      %dma_wait3A_383 = tpu.memref_slice %arg5[%mul3A_38] : memref<512xf32, #tpu.memory_space<hbm>> -> memref<64xf32, #tpu.memory_space<hbm>>
      tpu.wait_dma2 semaphore(%run_scoped3A_381 : memref<!tpu.dma_semaphore, #tpu.memory_space<semaphore_mem>>) src(%dma_wait3A_383 : memref<64xf32, #tpu.memory_space<hbm>>) dst(%arg10 : memref<64xf32, #tpu.memory_space<vmem>>)
      tpu.yield
    }) : () -> ()
    %iota3A = tpu.iota {dimensions = array<i32: 0>} : vector<16xi32>
    %broadcast_in_dim3A = arith.constant 0.000000e+00 : f32
    %broadcast_in_dim3A_39 = vector.broadcast %broadcast_in_dim3A : f32 to vector<16xf32>
    %scan3A = arith.constant 0 : i32
    %scan3A_40 = arith.constant 128 : i32
    %scan3A_41 = arith.addi %scan3A, %scan3A_40 : i32
    %scan3A_42 = arith.constant 1 : i32
    %scan3A_43:3 = scf.for %scan3A_381 = %scan3A to %scan3A_41 step %scan3A_42 iter_args(%scan3A_382 = %broadcast_in_dim3A_39, %scan3A_383 = %broadcast_in_dim3A_39, %scan3A_384 = %broadcast_in_dim3A_39) -> (vector<16xf32>, vector<16xf32>, vector<16xf32>)  : i32 {
      %mul3A_385 = arith.constant 16 : i32
      %mul3A_386 = arith.muli %scan3A_381, %mul3A_385 : i32
      %multiple_of3A = tpu.assume_multiple %mul3A_386, 16 : i32
      %get3A_387 = arith.index_cast %multiple_of3A : i32 to index
      %get3A_388 = tpu.vector_load %arg7[%get3A_387] {strides = array<i32>} : memref<2048xf32, #tpu.memory_space<vmem>>, vector<16xf32>,
      %add3A_389 = arith.addf %scan3A_382, %get3A_388 : vector<16xf32>
      %get3A_390 = arith.index_cast %multiple_of3A : i32 to index
      %get3A_391 = tpu.vector_load %arg8[%get3A_390] {strides = array<i32>} : memref<2048xf32, #tpu.memory_space<vmem>>, vector<16xf32>,
      %add3A_392 = arith.addf %scan3A_383, %get3A_391 : vector<16xf32>
      %get3A_393 = arith.index_cast %multiple_of3A : i32 to index
      %get3A_394 = tpu.vector_load %arg9[%get3A_393] {strides = array<i32>} : memref<2048xf32, #tpu.memory_space<vmem>>, vector<16xf32>,
      %add3A_395 = arith.addf %scan3A_384, %get3A_394 : vector<16xf32>
      scf.yield %add3A_389, %add3A_392, %add3A_395 : vector<16xf32>, vector<16xf32>, vector<16xf32>
    }
    %scan3A_44 = arith.constant 128 : i32
    %swap3A = arith.constant 0 : index
    %swap3A_45 = tpu.vector_load %arg12[%swap3A] {strides = array<i32>} : memref<48xf32, #tpu.memory_space<vmem>>, vector<16xf32>,
    tpu.vector_store %arg12[%swap3A], %scan3A_43#0 {strides = array<i32>} : memref<48xf32, #tpu.memory_space<vmem>>, vector<16xf32>,
    %swap3A_46 = arith.constant 16 : index
    %swap3A_47 = tpu.vector_load %arg12[%swap3A_46] {strides = array<i32>} : memref<48xf32, #tpu.memory_space<vmem>>, vector<16xf32>,
    tpu.vector_store %arg12[%swap3A_46], %scan3A_43#1 {strides = array<i32>} : memref<48xf32, #tpu.memory_space<vmem>>, vector<16xf32>,
    %swap3A_48 = arith.constant 32 : index
    %swap3A_49 = tpu.vector_load %arg12[%swap3A_48] {strides = array<i32>} : memref<48xf32, #tpu.memory_space<vmem>>, vector<16xf32>,
    tpu.vector_store %arg12[%swap3A_48], %scan3A_43#2 {strides = array<i32>} : memref<48xf32, #tpu.memory_space<vmem>>, vector<16xf32>,
    "tpu.region"() ({
      %run_scoped3A_381 = tpu.sem_alloc : memref<!tpu.dma_semaphore, #tpu.memory_space<semaphore_mem>>
      %dma_start3A = arith.constant 0 : i32
      %dma_start3A_382 = tpu.memref_slice %arg22[%arg1, %dma_start3A] : memref<16x48xf32, #tpu.memory_space<vmem_shared>> -> memref<1x48xf32, #tpu.memory_space<vmem_shared>>
      %dma_start3A_383 = tpu.memref_squeeze %dma_start3A_382 : memref<1x48xf32, #tpu.memory_space<vmem_shared>> -> memref<48xf32, #tpu.memory_space<vmem_shared>>
      %dma_start3A_384 = arith.constant 0 : i32
      %dma_start3A_385 = tpu.memref_slice %arg22[%arg1, %dma_start3A_384] : memref<16x48xf32, #tpu.memory_space<vmem_shared>> -> memref<1x48xf32, #tpu.memory_space<vmem_shared>>
      %dma_start3A_386 = tpu.memref_squeeze %dma_start3A_385 : memref<1x48xf32, #tpu.memory_space<vmem_shared>> -> memref<48xf32, #tpu.memory_space<vmem_shared>>
      tpu.enqueue_dma source(%arg12 : memref<48xf32, #tpu.memory_space<vmem>>) target(%dma_start3A_386 : memref<48xf32, #tpu.memory_space<vmem_shared>>) target_semaphore(%run_scoped3A_381 : memref<!tpu.dma_semaphore, #tpu.memory_space<semaphore_mem>>)
      %dma_wait3A = arith.constant 0 : i32
      %dma_wait3A_387 = tpu.memref_slice %arg22[%arg1, %dma_wait3A] : memref<16x48xf32, #tpu.memory_space<vmem_shared>> -> memref<1x48xf32, #tpu.memory_space<vmem_shared>>
      %dma_wait3A_388 = tpu.memref_squeeze %dma_wait3A_387 : memref<1x48xf32, #tpu.memory_space<vmem_shared>> -> memref<48xf32, #tpu.memory_space<vmem_shared>>
      %dma_wait3A_389 = arith.constant 0 : i32
      %dma_wait3A_390 = tpu.memref_slice %arg22[%arg1, %dma_wait3A_389] : memref<16x48xf32, #tpu.memory_space<vmem_shared>> -> memref<1x48xf32, #tpu.memory_space<vmem_shared>>
      %dma_wait3A_391 = tpu.memref_squeeze %dma_wait3A_390 : memref<1x48xf32, #tpu.memory_space<vmem_shared>> -> memref<48xf32, #tpu.memory_space<vmem_shared>>
      tpu.wait_dma2 semaphore(%run_scoped3A_381 : memref<!tpu.dma_semaphore, #tpu.memory_space<semaphore_mem>>) src(%arg12 : memref<48xf32, #tpu.memory_space<vmem>>) dst(%dma_wait3A_391 : memref<48xf32, #tpu.memory_space<vmem_shared>>)
      tpu.yield
    }) : () -> ()
    %barrier3A = arith.constant 0 : index
    tpu.barrier barrier_id(%barrier3A)
    %jit3A_50 = arith.constant 4 : i32
    %eq3A_51 = arith.constant 0 : i32
    %eq3A_52 = arith.cmpi eq, %jit3A_50, %eq3A_51 : i32
    %jit3A_53 = arith.constant 1 : i32
    %select_n3A_54 = arith.select %eq3A_52, %jit3A_53, %jit3A_50 : i32
    %rem3A_55 = arith.remsi %select_n3A, %select_n3A_54 : i32
    %ne3A_56 = arith.constant 0 : i32
    %ne3A_57 = arith.cmpi ne, %rem3A_55, %ne3A_56 : i32
    %lt3A_58 = arith.constant 0 : i32
    %lt3A_59 = arith.cmpi slt, %rem3A_55, %lt3A_58 : i32
    %lt3A_60 = arith.constant 0 : i32
    %lt3A_61 = arith.cmpi slt, %select_n3A_54, %lt3A_60 : i32
    %ne3A_62 = arith.xori %lt3A_59, %lt3A_61 : i1
    %and3A_63 = arith.andi %ne3A_62, %ne3A_57 : i1
    %add3A_64 = arith.addi %rem3A_55, %select_n3A_54 : i32
    %select_n3A_65 = arith.select %and3A_63, %add3A_64, %rem3A_55 : i32
    %mul3A_66 = arith.constant 4 : i32
    %mul3A_67 = arith.muli %select_n3A_65, %mul3A_66 : i32
    "tpu.region"() ({
      %run_scoped3A_381 = tpu.sem_alloc : memref<!tpu.dma_semaphore, #tpu.memory_space<semaphore_mem>>
      %dma_start3A = arith.constant 0 : i32
      %dma_start3A_382 = tpu.memref_slice %arg22[%mul3A_67, %dma_start3A] : memref<16x48xf32, #tpu.memory_space<vmem_shared>> -> memref<1x48xf32, #tpu.memory_space<vmem_shared>>
      %dma_start3A_383 = tpu.memref_squeeze %dma_start3A_382 : memref<1x48xf32, #tpu.memory_space<vmem_shared>> -> memref<48xf32, #tpu.memory_space<vmem_shared>>
      %dma_start3A_384 = arith.constant 0 : i32
      %dma_start3A_385 = tpu.memref_slice %arg22[%mul3A_67, %dma_start3A_384] : memref<16x48xf32, #tpu.memory_space<vmem_shared>> -> memref<1x48xf32, #tpu.memory_space<vmem_shared>>
      %dma_start3A_386 = tpu.memref_squeeze %dma_start3A_385 : memref<1x48xf32, #tpu.memory_space<vmem_shared>> -> memref<48xf32, #tpu.memory_space<vmem_shared>>
      tpu.enqueue_dma source(%dma_start3A_386 : memref<48xf32, #tpu.memory_space<vmem_shared>>) target(%arg12 : memref<48xf32, #tpu.memory_space<vmem>>) target_semaphore(%run_scoped3A_381 : memref<!tpu.dma_semaphore, #tpu.memory_space<semaphore_mem>>)
      %dma_wait3A = arith.constant 0 : i32
      %dma_wait3A_387 = tpu.memref_slice %arg22[%mul3A_67, %dma_wait3A] : memref<16x48xf32, #tpu.memory_space<vmem_shared>> -> memref<1x48xf32, #tpu.memory_space<vmem_shared>>
      %dma_wait3A_388 = tpu.memref_squeeze %dma_wait3A_387 : memref<1x48xf32, #tpu.memory_space<vmem_shared>> -> memref<48xf32, #tpu.memory_space<vmem_shared>>
      %dma_wait3A_389 = arith.constant 0 : i32
      %dma_wait3A_390 = tpu.memref_slice %arg22[%mul3A_67, %dma_wait3A_389] : memref<16x48xf32, #tpu.memory_space<vmem_shared>> -> memref<1x48xf32, #tpu.memory_space<vmem_shared>>
      %dma_wait3A_391 = tpu.memref_squeeze %dma_wait3A_390 : memref<1x48xf32, #tpu.memory_space<vmem_shared>> -> memref<48xf32, #tpu.memory_space<vmem_shared>>
      tpu.wait_dma2 semaphore(%run_scoped3A_381 : memref<!tpu.dma_semaphore, #tpu.memory_space<semaphore_mem>>) src(%dma_wait3A_391 : memref<48xf32, #tpu.memory_space<vmem_shared>>) dst(%arg12 : memref<48xf32, #tpu.memory_space<vmem>>)
      tpu.yield
    }) : () -> ()
    %get3A = arith.constant 0 : index
    %get3A_68 = tpu.vector_load %arg12[%get3A] {strides = array<i32>} : memref<48xf32, #tpu.memory_space<vmem>>, vector<16xf32>,
    %get3A_69 = arith.constant 16 : index
    %get3A_70 = tpu.vector_load %arg12[%get3A_69] {strides = array<i32>} : memref<48xf32, #tpu.memory_space<vmem>>, vector<16xf32>,
    %get3A_71 = arith.constant 32 : index
    %get3A_72 = tpu.vector_load %arg12[%get3A_71] {strides = array<i32>} : memref<48xf32, #tpu.memory_space<vmem>>, vector<16xf32>,
    %add3A_73 = arith.constant 1 : i32
    %add3A_74 = arith.addi %mul3A_67, %add3A_73 : i32
    "tpu.region"() ({
      %run_scoped3A_381 = tpu.sem_alloc : memref<!tpu.dma_semaphore, #tpu.memory_space<semaphore_mem>>
      %dma_start3A = arith.constant 0 : i32
      %dma_start3A_382 = tpu.memref_slice %arg22[%add3A_74, %dma_start3A] : memref<16x48xf32, #tpu.memory_space<vmem_shared>> -> memref<1x48xf32, #tpu.memory_space<vmem_shared>>
      %dma_start3A_383 = tpu.memref_squeeze %dma_start3A_382 : memref<1x48xf32, #tpu.memory_space<vmem_shared>> -> memref<48xf32, #tpu.memory_space<vmem_shared>>
      %dma_start3A_384 = arith.constant 0 : i32
      %dma_start3A_385 = tpu.memref_slice %arg22[%add3A_74, %dma_start3A_384] : memref<16x48xf32, #tpu.memory_space<vmem_shared>> -> memref<1x48xf32, #tpu.memory_space<vmem_shared>>
      %dma_start3A_386 = tpu.memref_squeeze %dma_start3A_385 : memref<1x48xf32, #tpu.memory_space<vmem_shared>> -> memref<48xf32, #tpu.memory_space<vmem_shared>>
      tpu.enqueue_dma source(%dma_start3A_386 : memref<48xf32, #tpu.memory_space<vmem_shared>>) target(%arg12 : memref<48xf32, #tpu.memory_space<vmem>>) target_semaphore(%run_scoped3A_381 : memref<!tpu.dma_semaphore, #tpu.memory_space<semaphore_mem>>)
      %dma_wait3A = arith.constant 0 : i32
      %dma_wait3A_387 = tpu.memref_slice %arg22[%add3A_74, %dma_wait3A] : memref<16x48xf32, #tpu.memory_space<vmem_shared>> -> memref<1x48xf32, #tpu.memory_space<vmem_shared>>
      %dma_wait3A_388 = tpu.memref_squeeze %dma_wait3A_387 : memref<1x48xf32, #tpu.memory_space<vmem_shared>> -> memref<48xf32, #tpu.memory_space<vmem_shared>>
      %dma_wait3A_389 = arith.constant 0 : i32
      %dma_wait3A_390 = tpu.memref_slice %arg22[%add3A_74, %dma_wait3A_389] : memref<16x48xf32, #tpu.memory_space<vmem_shared>> -> memref<1x48xf32, #tpu.memory_space<vmem_shared>>
      %dma_wait3A_391 = tpu.memref_squeeze %dma_wait3A_390 : memref<1x48xf32, #tpu.memory_space<vmem_shared>> -> memref<48xf32, #tpu.memory_space<vmem_shared>>
      tpu.wait_dma2 semaphore(%run_scoped3A_381 : memref<!tpu.dma_semaphore, #tpu.memory_space<semaphore_mem>>) src(%dma_wait3A_391 : memref<48xf32, #tpu.memory_space<vmem_shared>>) dst(%arg12 : memref<48xf32, #tpu.memory_space<vmem>>)
      tpu.yield
    }) : () -> ()
    %get3A_75 = arith.constant 0 : index
    %get3A_76 = tpu.vector_load %arg12[%get3A_75] {strides = array<i32>} : memref<48xf32, #tpu.memory_space<vmem>>, vector<16xf32>,
    %get3A_77 = arith.constant 16 : index
    %get3A_78 = tpu.vector_load %arg12[%get3A_77] {strides = array<i32>} : memref<48xf32, #tpu.memory_space<vmem>>, vector<16xf32>,
    %get3A_79 = arith.constant 32 : index
    %get3A_80 = tpu.vector_load %arg12[%get3A_79] {strides = array<i32>} : memref<48xf32, #tpu.memory_space<vmem>>, vector<16xf32>,
    %add3A_81 = arith.constant 2 : i32
    %add3A_82 = arith.addi %mul3A_67, %add3A_81 : i32
    "tpu.region"() ({
      %run_scoped3A_381 = tpu.sem_alloc : memref<!tpu.dma_semaphore, #tpu.memory_space<semaphore_mem>>
      %dma_start3A = arith.constant 0 : i32
      %dma_start3A_382 = tpu.memref_slice %arg22[%add3A_82, %dma_start3A] : memref<16x48xf32, #tpu.memory_space<vmem_shared>> -> memref<1x48xf32, #tpu.memory_space<vmem_shared>>
      %dma_start3A_383 = tpu.memref_squeeze %dma_start3A_382 : memref<1x48xf32, #tpu.memory_space<vmem_shared>> -> memref<48xf32, #tpu.memory_space<vmem_shared>>
      %dma_start3A_384 = arith.constant 0 : i32
      %dma_start3A_385 = tpu.memref_slice %arg22[%add3A_82, %dma_start3A_384] : memref<16x48xf32, #tpu.memory_space<vmem_shared>> -> memref<1x48xf32, #tpu.memory_space<vmem_shared>>
      %dma_start3A_386 = tpu.memref_squeeze %dma_start3A_385 : memref<1x48xf32, #tpu.memory_space<vmem_shared>> -> memref<48xf32, #tpu.memory_space<vmem_shared>>
      tpu.enqueue_dma source(%dma_start3A_386 : memref<48xf32, #tpu.memory_space<vmem_shared>>) target(%arg12 : memref<48xf32, #tpu.memory_space<vmem>>) target_semaphore(%run_scoped3A_381 : memref<!tpu.dma_semaphore, #tpu.memory_space<semaphore_mem>>)
      %dma_wait3A = arith.constant 0 : i32
      %dma_wait3A_387 = tpu.memref_slice %arg22[%add3A_82, %dma_wait3A] : memref<16x48xf32, #tpu.memory_space<vmem_shared>> -> memref<1x48xf32, #tpu.memory_space<vmem_shared>>
      %dma_wait3A_388 = tpu.memref_squeeze %dma_wait3A_387 : memref<1x48xf32, #tpu.memory_space<vmem_shared>> -> memref<48xf32, #tpu.memory_space<vmem_shared>>
      %dma_wait3A_389 = arith.constant 0 : i32
      %dma_wait3A_390 = tpu.memref_slice %arg22[%add3A_82, %dma_wait3A_389] : memref<16x48xf32, #tpu.memory_space<vmem_shared>> -> memref<1x48xf32, #tpu.memory_space<vmem_shared>>
      %dma_wait3A_391 = tpu.memref_squeeze %dma_wait3A_390 : memref<1x48xf32, #tpu.memory_space<vmem_shared>> -> memref<48xf32, #tpu.memory_space<vmem_shared>>
      tpu.wait_dma2 semaphore(%run_scoped3A_381 : memref<!tpu.dma_semaphore, #tpu.memory_space<semaphore_mem>>) src(%dma_wait3A_391 : memref<48xf32, #tpu.memory_space<vmem_shared>>) dst(%arg12 : memref<48xf32, #tpu.memory_space<vmem>>)
      tpu.yield
    }) : () -> ()
    %get3A_83 = arith.constant 0 : index
    %get3A_84 = tpu.vector_load %arg12[%get3A_83] {strides = array<i32>} : memref<48xf32, #tpu.memory_space<vmem>>, vector<16xf32>,
    %get3A_85 = arith.constant 16 : index
    %get3A_86 = tpu.vector_load %arg12[%get3A_85] {strides = array<i32>} : memref<48xf32, #tpu.memory_space<vmem>>, vector<16xf32>,
    %get3A_87 = arith.constant 32 : index
    %get3A_88 = tpu.vector_load %arg12[%get3A_87] {strides = array<i32>} : memref<48xf32, #tpu.memory_space<vmem>>, vector<16xf32>,
    %add3A_89 = arith.constant 3 : i32
    %add3A_90 = arith.addi %mul3A_67, %add3A_89 : i32
    "tpu.region"() ({
      %run_scoped3A_381 = tpu.sem_alloc : memref<!tpu.dma_semaphore, #tpu.memory_space<semaphore_mem>>
      %dma_start3A = arith.constant 0 : i32
      %dma_start3A_382 = tpu.memref_slice %arg22[%add3A_90, %dma_start3A] : memref<16x48xf32, #tpu.memory_space<vmem_shared>> -> memref<1x48xf32, #tpu.memory_space<vmem_shared>>
      %dma_start3A_383 = tpu.memref_squeeze %dma_start3A_382 : memref<1x48xf32, #tpu.memory_space<vmem_shared>> -> memref<48xf32, #tpu.memory_space<vmem_shared>>
      %dma_start3A_384 = arith.constant 0 : i32
      %dma_start3A_385 = tpu.memref_slice %arg22[%add3A_90, %dma_start3A_384] : memref<16x48xf32, #tpu.memory_space<vmem_shared>> -> memref<1x48xf32, #tpu.memory_space<vmem_shared>>
      %dma_start3A_386 = tpu.memref_squeeze %dma_start3A_385 : memref<1x48xf32, #tpu.memory_space<vmem_shared>> -> memref<48xf32, #tpu.memory_space<vmem_shared>>
      tpu.enqueue_dma source(%dma_start3A_386 : memref<48xf32, #tpu.memory_space<vmem_shared>>) target(%arg12 : memref<48xf32, #tpu.memory_space<vmem>>) target_semaphore(%run_scoped3A_381 : memref<!tpu.dma_semaphore, #tpu.memory_space<semaphore_mem>>)
      %dma_wait3A = arith.constant 0 : i32
      %dma_wait3A_387 = tpu.memref_slice %arg22[%add3A_90, %dma_wait3A] : memref<16x48xf32, #tpu.memory_space<vmem_shared>> -> memref<1x48xf32, #tpu.memory_space<vmem_shared>>
      %dma_wait3A_388 = tpu.memref_squeeze %dma_wait3A_387 : memref<1x48xf32, #tpu.memory_space<vmem_shared>> -> memref<48xf32, #tpu.memory_space<vmem_shared>>
      %dma_wait3A_389 = arith.constant 0 : i32
      %dma_wait3A_390 = tpu.memref_slice %arg22[%add3A_90, %dma_wait3A_389] : memref<16x48xf32, #tpu.memory_space<vmem_shared>> -> memref<1x48xf32, #tpu.memory_space<vmem_shared>>
      %dma_wait3A_391 = tpu.memref_squeeze %dma_wait3A_390 : memref<1x48xf32, #tpu.memory_space<vmem_shared>> -> memref<48xf32, #tpu.memory_space<vmem_shared>>
      tpu.wait_dma2 semaphore(%run_scoped3A_381 : memref<!tpu.dma_semaphore, #tpu.memory_space<semaphore_mem>>) src(%dma_wait3A_391 : memref<48xf32, #tpu.memory_space<vmem_shared>>) dst(%arg12 : memref<48xf32, #tpu.memory_space<vmem>>)
      tpu.yield
    }) : () -> ()
    %get3A_91 = arith.constant 0 : index
    %get3A_92 = tpu.vector_load %arg12[%get3A_91] {strides = array<i32>} : memref<48xf32, #tpu.memory_space<vmem>>, vector<16xf32>,
    %get3A_93 = arith.constant 16 : index
    %get3A_94 = tpu.vector_load %arg12[%get3A_93] {strides = array<i32>} : memref<48xf32, #tpu.memory_space<vmem>>, vector<16xf32>,
    %get3A_95 = arith.constant 32 : index
    %get3A_96 = tpu.vector_load %arg12[%get3A_95] {strides = array<i32>} : memref<48xf32, #tpu.memory_space<vmem>>, vector<16xf32>,
    %add3A_97 = arith.addf %get3A_68, %get3A_76 : vector<16xf32>
    %add3A_98 = arith.addf %get3A_84, %get3A_92 : vector<16xf32>
    %add3A_99 = arith.addf %add3A_97, %add3A_98 : vector<16xf32>
    %reduce_sum3A = arith.constant true
    %reduce_sum3A_100 = vector.broadcast %reduce_sum3A : i1 to vector<16xi1>
    %reduce_sum3A_101 = tpu.scan <sum>, %add3A_99 masked %reduce_sum3A_100 : vector<16xf32>, vector<16xi1> -> vector<16xf32>
    %reduce_sum3A_102 = vector.extract %reduce_sum3A_101[15] : f32 from vector<16xf32>
    %mul3A_103 = arith.constant 1.22070313E-4 : f32
    %mul3A_104 = arith.mulf %reduce_sum3A_102, %mul3A_103 : f32
    %add3A_105 = arith.addf %get3A_70, %get3A_78 : vector<16xf32>
    %add3A_106 = arith.addf %get3A_86, %get3A_94 : vector<16xf32>
    %add3A_107 = arith.addf %add3A_105, %add3A_106 : vector<16xf32>
    %reduce_sum3A_108 = arith.constant true
    %reduce_sum3A_109 = vector.broadcast %reduce_sum3A_108 : i1 to vector<16xi1>
    %reduce_sum3A_110 = tpu.scan <sum>, %add3A_107 masked %reduce_sum3A_109 : vector<16xf32>, vector<16xi1> -> vector<16xf32>
    %reduce_sum3A_111 = vector.extract %reduce_sum3A_110[15] : f32 from vector<16xf32>
    %mul3A_112 = arith.constant 1.22070313E-4 : f32
    %mul3A_113 = arith.mulf %reduce_sum3A_111, %mul3A_112 : f32
    %add3A_114 = arith.addf %get3A_72, %get3A_80 : vector<16xf32>
    %add3A_115 = arith.addf %get3A_88, %get3A_96 : vector<16xf32>
    %add3A_116 = arith.addf %add3A_114, %add3A_115 : vector<16xf32>
    %reduce_sum3A_117 = arith.constant true
    %reduce_sum3A_118 = vector.broadcast %reduce_sum3A_117 : i1 to vector<16xi1>
    %reduce_sum3A_119 = tpu.scan <sum>, %add3A_116 masked %reduce_sum3A_118 : vector<16xf32>, vector<16xi1> -> vector<16xf32>
    %reduce_sum3A_120 = vector.extract %reduce_sum3A_119[15] : f32 from vector<16xf32>
    %mul3A_121 = arith.constant 1.22070313E-4 : f32
    %mul3A_122 = arith.mulf %reduce_sum3A_120, %mul3A_121 : f32
    %mul3A_123 = arith.constant 4 : i32
    %mul3A_124 = vector.broadcast %mul3A_123 : i32 to vector<16xi32>
    %mul3A_125 = arith.muli %iota3A, %mul3A_124 : vector<16xi32>
    %add3A_126 = arith.constant 1 : i32
    %add3A_127 = vector.broadcast %add3A_126 : i32 to vector<16xi32>
    %add3A_128 = arith.addi %mul3A_125, %add3A_127 : vector<16xi32>
    %gather3A = tpu.vector_load_idx %arg10[%add3A_128] : memref<64xf32, #tpu.memory_space<vmem>>[vector<16xi32>], vector<16xf32>,
    %mul3A_129 = arith.constant 4 : i32
    %mul3A_130 = vector.broadcast %mul3A_129 : i32 to vector<16xi32>
    %mul3A_131 = arith.muli %iota3A, %mul3A_130 : vector<16xi32>
    %add3A_132 = arith.constant 2 : i32
    %add3A_133 = vector.broadcast %add3A_132 : i32 to vector<16xi32>
    %add3A_134 = arith.addi %mul3A_131, %add3A_133 : vector<16xi32>
    %gather3A_135 = tpu.vector_load_idx %arg10[%add3A_134] : memref<64xf32, #tpu.memory_space<vmem>>[vector<16xi32>], vector<16xf32>,
    %mul3A_136 = arith.constant 4 : i32
    %mul3A_137 = vector.broadcast %mul3A_136 : i32 to vector<16xi32>
    %mul3A_138 = arith.muli %iota3A, %mul3A_137 : vector<16xi32>
    %add3A_139 = arith.constant 3 : i32
    %add3A_140 = vector.broadcast %add3A_139 : i32 to vector<16xi32>
    %add3A_141 = arith.addi %mul3A_138, %add3A_140 : vector<16xi32>
    %gather3A_142 = tpu.vector_load_idx %arg10[%add3A_141] : memref<64xf32, #tpu.memory_space<vmem>>[vector<16xi32>], vector<16xf32>,
    %mul3A_143 = arith.mulf %gather3A, %gather3A : vector<16xf32>
    %mul3A_144 = arith.mulf %gather3A_135, %gather3A_135 : vector<16xf32>
    %add3A_145 = arith.addf %mul3A_143, %mul3A_144 : vector<16xf32>
    %mul3A_146 = arith.mulf %gather3A_142, %gather3A_142 : vector<16xf32>
    %add3A_147 = arith.addf %add3A_145, %mul3A_146 : vector<16xf32>
    %bitcast3A = vector.bitcast %add3A_147 : vector<16xf32> to vector<16xi32>
    %shift_right_arithmetic3A = arith.constant 1 : i32
    %shift_right_arithmetic3A_148 = vector.broadcast %shift_right_arithmetic3A : i32 to vector<16xi32>
    %shift_right_arithmetic3A_149 = arith.shrsi %bitcast3A, %shift_right_arithmetic3A_148 : vector<16xi32>
    %sub3A_150 = arith.constant 1597463007 : i32
    %sub3A_151 = vector.broadcast %sub3A_150 : i32 to vector<16xi32>
    %sub3A_152 = arith.subi %sub3A_151, %shift_right_arithmetic3A_149 : vector<16xi32>
    %bitcast3A_153 = vector.bitcast %sub3A_152 : vector<16xi32> to vector<16xf32>
    %mul3A_154 = arith.constant 5.000000e-01 : f32
    %mul3A_155 = vector.broadcast %mul3A_154 : f32 to vector<16xf32>
    %mul3A_156 = arith.mulf %mul3A_155, %add3A_147 : vector<16xf32>
    %mul3A_157 = arith.mulf %mul3A_156, %bitcast3A_153 : vector<16xf32>
    %mul3A_158 = arith.mulf %mul3A_157, %bitcast3A_153 : vector<16xf32>
    %sub3A_159 = arith.constant 1.500000e+00 : f32
    %sub3A_160 = vector.broadcast %sub3A_159 : f32 to vector<16xf32>
    %sub3A_161 = arith.subf %sub3A_160, %mul3A_158 : vector<16xf32>
    %mul3A_162 = arith.mulf %bitcast3A_153, %sub3A_161 : vector<16xf32>
    %mul3A_163 = arith.constant 5.000000e-01 : f32
    %mul3A_164 = vector.broadcast %mul3A_163 : f32 to vector<16xf32>
    %mul3A_165 = arith.mulf %mul3A_164, %add3A_147 : vector<16xf32>
    %mul3A_166 = arith.mulf %mul3A_165, %mul3A_162 : vector<16xf32>
    %mul3A_167 = arith.mulf %mul3A_166, %mul3A_162 : vector<16xf32>
    %sub3A_168 = arith.constant 1.500000e+00 : f32
    %sub3A_169 = vector.broadcast %sub3A_168 : f32 to vector<16xf32>
    %sub3A_170 = arith.subf %sub3A_169, %mul3A_167 : vector<16xf32>
    %mul3A_171 = arith.mulf %mul3A_162, %sub3A_170 : vector<16xf32>
    %mul3A_172 = arith.constant 5.000000e-01 : f32
    %mul3A_173 = vector.broadcast %mul3A_172 : f32 to vector<16xf32>
    %mul3A_174 = arith.mulf %mul3A_173, %add3A_147 : vector<16xf32>
    %mul3A_175 = arith.mulf %mul3A_174, %mul3A_171 : vector<16xf32>
    %mul3A_176 = arith.mulf %mul3A_175, %mul3A_171 : vector<16xf32>
    %sub3A_177 = arith.constant 1.500000e+00 : f32
    %sub3A_178 = vector.broadcast %sub3A_177 : f32 to vector<16xf32>
    %sub3A_179 = arith.subf %sub3A_178, %mul3A_176 : vector<16xf32>
    %mul3A_180 = arith.mulf %mul3A_171, %sub3A_179 : vector<16xf32>
    %mul3A_181 = arith.constant 5.000000e-01 : f32
    %mul3A_182 = vector.broadcast %mul3A_181 : f32 to vector<16xf32>
    %mul3A_183 = arith.mulf %mul3A_182, %add3A_147 : vector<16xf32>
    %mul3A_184 = arith.mulf %mul3A_183, %mul3A_180 : vector<16xf32>
    %mul3A_185 = arith.mulf %mul3A_184, %mul3A_180 : vector<16xf32>
    %sub3A_186 = arith.constant 1.500000e+00 : f32
    %sub3A_187 = vector.broadcast %sub3A_186 : f32 to vector<16xf32>
    %sub3A_188 = arith.subf %sub3A_187, %mul3A_185 : vector<16xf32>
    %mul3A_189 = arith.mulf %mul3A_180, %sub3A_188 : vector<16xf32>
    %broadcast_in_dim3A_190 = arith.constant 7.070000e-01 : f32
    %broadcast_in_dim3A_191 = vector.broadcast %broadcast_in_dim3A_190 : f32 to vector<16xf32>
    %mul3A_192 = arith.mulf %gather3A, %mul3A_189 : vector<16xf32>
    %mul3A_193 = arith.constant 7.070000e-01 : f32
    %mul3A_194 = vector.broadcast %mul3A_193 : f32 to vector<16xf32>
    %mul3A_195 = arith.mulf %mul3A_194, %mul3A_192 : vector<16xf32>
    %mul3A_196 = arith.mulf %gather3A_135, %mul3A_189 : vector<16xf32>
    %mul3A_197 = arith.constant 7.070000e-01 : f32
    %mul3A_198 = vector.broadcast %mul3A_197 : f32 to vector<16xf32>
    %mul3A_199 = arith.mulf %mul3A_198, %mul3A_196 : vector<16xf32>
    %mul3A_200 = arith.mulf %gather3A_142, %mul3A_189 : vector<16xf32>
    %mul3A_201 = arith.constant 7.070000e-01 : f32
    %mul3A_202 = vector.broadcast %mul3A_201 : f32 to vector<16xf32>
    %mul3A_203 = arith.mulf %mul3A_202, %mul3A_200 : vector<16xf32>
    %mul3A_204 = arith.mulf %broadcast_in_dim3A_191, %broadcast_in_dim3A_191 : vector<16xf32>
    %mul3A_205 = arith.mulf %mul3A_195, %mul3A_195 : vector<16xf32>
    %add3A_206 = arith.addf %mul3A_204, %mul3A_205 : vector<16xf32>
    %mul3A_207 = arith.mulf %mul3A_199, %mul3A_199 : vector<16xf32>
    %sub3A_208 = arith.subf %add3A_206, %mul3A_207 : vector<16xf32>
    %mul3A_209 = arith.mulf %mul3A_203, %mul3A_203 : vector<16xf32>
    %sub3A_210 = arith.subf %sub3A_208, %mul3A_209 : vector<16xf32>
    %mul3A_211 = arith.mulf %mul3A_195, %mul3A_199 : vector<16xf32>
    %mul3A_212 = arith.mulf %broadcast_in_dim3A_191, %mul3A_203 : vector<16xf32>
    %sub3A_213 = arith.subf %mul3A_211, %mul3A_212 : vector<16xf32>
    %mul3A_214 = arith.constant 2.000000e+00 : f32
    %mul3A_215 = vector.broadcast %mul3A_214 : f32 to vector<16xf32>
    %mul3A_216 = arith.mulf %mul3A_215, %sub3A_213 : vector<16xf32>
    %mul3A_217 = arith.mulf %mul3A_195, %mul3A_203 : vector<16xf32>
    %mul3A_218 = arith.mulf %broadcast_in_dim3A_191, %mul3A_199 : vector<16xf32>
    %add3A_219 = arith.addf %mul3A_217, %mul3A_218 : vector<16xf32>
    %mul3A_220 = arith.constant 2.000000e+00 : f32
    %mul3A_221 = vector.broadcast %mul3A_220 : f32 to vector<16xf32>
    %mul3A_222 = arith.mulf %mul3A_221, %add3A_219 : vector<16xf32>
    %mul3A_223 = arith.mulf %mul3A_195, %mul3A_199 : vector<16xf32>
    %mul3A_224 = arith.mulf %broadcast_in_dim3A_191, %mul3A_203 : vector<16xf32>
    %add3A_225 = arith.addf %mul3A_223, %mul3A_224 : vector<16xf32>
    %mul3A_226 = arith.constant 2.000000e+00 : f32
    %mul3A_227 = vector.broadcast %mul3A_226 : f32 to vector<16xf32>
    %mul3A_228 = arith.mulf %mul3A_227, %add3A_225 : vector<16xf32>
    %mul3A_229 = arith.mulf %broadcast_in_dim3A_191, %broadcast_in_dim3A_191 : vector<16xf32>
    %mul3A_230 = arith.mulf %mul3A_195, %mul3A_195 : vector<16xf32>
    %sub3A_231 = arith.subf %mul3A_229, %mul3A_230 : vector<16xf32>
    %mul3A_232 = arith.mulf %mul3A_199, %mul3A_199 : vector<16xf32>
    %add3A_233 = arith.addf %sub3A_231, %mul3A_232 : vector<16xf32>
    %mul3A_234 = arith.mulf %mul3A_203, %mul3A_203 : vector<16xf32>
    %sub3A_235 = arith.subf %add3A_233, %mul3A_234 : vector<16xf32>
    %mul3A_236 = arith.mulf %mul3A_199, %mul3A_203 : vector<16xf32>
    %mul3A_237 = arith.mulf %broadcast_in_dim3A_191, %mul3A_195 : vector<16xf32>
    %sub3A_238 = arith.subf %mul3A_236, %mul3A_237 : vector<16xf32>
    %mul3A_239 = arith.constant 2.000000e+00 : f32
    %mul3A_240 = vector.broadcast %mul3A_239 : f32 to vector<16xf32>
    %mul3A_241 = arith.mulf %mul3A_240, %sub3A_238 : vector<16xf32>
    %mul3A_242 = arith.mulf %mul3A_195, %mul3A_203 : vector<16xf32>
    %mul3A_243 = arith.mulf %broadcast_in_dim3A_191, %mul3A_199 : vector<16xf32>
    %sub3A_244 = arith.subf %mul3A_242, %mul3A_243 : vector<16xf32>
    %mul3A_245 = arith.constant 2.000000e+00 : f32
    %mul3A_246 = vector.broadcast %mul3A_245 : f32 to vector<16xf32>
    %mul3A_247 = arith.mulf %mul3A_246, %sub3A_244 : vector<16xf32>
    %mul3A_248 = arith.mulf %mul3A_199, %mul3A_203 : vector<16xf32>
    %mul3A_249 = arith.mulf %broadcast_in_dim3A_191, %mul3A_195 : vector<16xf32>
    %add3A_250 = arith.addf %mul3A_248, %mul3A_249 : vector<16xf32>
    %mul3A_251 = arith.constant 2.000000e+00 : f32
    %mul3A_252 = vector.broadcast %mul3A_251 : f32 to vector<16xf32>
    %mul3A_253 = arith.mulf %mul3A_252, %add3A_250 : vector<16xf32>
    %mul3A_254 = arith.mulf %broadcast_in_dim3A_191, %broadcast_in_dim3A_191 : vector<16xf32>
    %mul3A_255 = arith.mulf %mul3A_195, %mul3A_195 : vector<16xf32>
    %sub3A_256 = arith.subf %mul3A_254, %mul3A_255 : vector<16xf32>
    %mul3A_257 = arith.mulf %mul3A_199, %mul3A_199 : vector<16xf32>
    %sub3A_258 = arith.subf %sub3A_256, %mul3A_257 : vector<16xf32>
    %mul3A_259 = arith.mulf %mul3A_203, %mul3A_203 : vector<16xf32>
    %add3A_260 = arith.addf %sub3A_258, %mul3A_259 : vector<16xf32>
    %mul3A_261 = vector.broadcast %mul3A_104 : f32 to vector<16xf32>
    %mul3A_262 = arith.mulf %sub3A_210, %mul3A_261 : vector<16xf32>
    %mul3A_263 = vector.broadcast %mul3A_113 : f32 to vector<16xf32>
    %mul3A_264 = arith.mulf %mul3A_216, %mul3A_263 : vector<16xf32>
    %add3A_265 = arith.addf %mul3A_262, %mul3A_264 : vector<16xf32>
    %mul3A_266 = vector.broadcast %mul3A_122 : f32 to vector<16xf32>
    %mul3A_267 = arith.mulf %mul3A_222, %mul3A_266 : vector<16xf32>
    %add3A_268 = arith.addf %add3A_265, %mul3A_267 : vector<16xf32>
    %neg3A = arith.constant 0.000000e+00 : f32
    %neg3A_269 = vector.broadcast %neg3A : f32 to vector<16xf32>
    %neg3A_270 = arith.subf %neg3A_269, %add3A_268 : vector<16xf32>
    %mul3A_271 = vector.broadcast %mul3A_104 : f32 to vector<16xf32>
    %mul3A_272 = arith.mulf %mul3A_228, %mul3A_271 : vector<16xf32>
    %mul3A_273 = vector.broadcast %mul3A_113 : f32 to vector<16xf32>
    %mul3A_274 = arith.mulf %sub3A_235, %mul3A_273 : vector<16xf32>
    %add3A_275 = arith.addf %mul3A_272, %mul3A_274 : vector<16xf32>
    %mul3A_276 = vector.broadcast %mul3A_122 : f32 to vector<16xf32>
    %mul3A_277 = arith.mulf %mul3A_241, %mul3A_276 : vector<16xf32>
    %add3A_278 = arith.addf %add3A_275, %mul3A_277 : vector<16xf32>
    %neg3A_279 = arith.constant 0.000000e+00 : f32
    %neg3A_280 = vector.broadcast %neg3A_279 : f32 to vector<16xf32>
    %neg3A_281 = arith.subf %neg3A_280, %add3A_278 : vector<16xf32>
    %mul3A_282 = vector.broadcast %mul3A_104 : f32 to vector<16xf32>
    %mul3A_283 = arith.mulf %mul3A_247, %mul3A_282 : vector<16xf32>
    %mul3A_284 = vector.broadcast %mul3A_113 : f32 to vector<16xf32>
    %mul3A_285 = arith.mulf %mul3A_253, %mul3A_284 : vector<16xf32>
    %add3A_286 = arith.addf %mul3A_283, %mul3A_285 : vector<16xf32>
    %mul3A_287 = vector.broadcast %mul3A_122 : f32 to vector<16xf32>
    %mul3A_288 = arith.mulf %add3A_260, %mul3A_287 : vector<16xf32>
    %add3A_289 = arith.addf %add3A_286, %mul3A_288 : vector<16xf32>
    %neg3A_290 = arith.constant 0.000000e+00 : f32
    %neg3A_291 = vector.broadcast %neg3A_290 : f32 to vector<16xf32>
    %neg3A_292 = arith.subf %neg3A_291, %add3A_289 : vector<16xf32>
    %mul3A_293 = arith.constant 16 : i32
    %mul3A_294 = vector.broadcast %mul3A_293 : i32 to vector<16xi32>
    %mul3A_295 = arith.muli %iota3A, %mul3A_294 : vector<16xi32>
    %add3A_296 = arith.constant 0 : i32
    %add3A_297 = vector.broadcast %add3A_296 : i32 to vector<16xi32>
    %add3A_298 = arith.addi %mul3A_295, %add3A_297 : vector<16xi32>
    tpu.vector_store_idx %arg11[%add3A_298], %sub3A_210 : memref<256xf32, #tpu.memory_space<vmem>>[vector<16xi32>], vector<16xf32>,
    %add3A_299 = arith.constant 1 : i32
    %add3A_300 = vector.broadcast %add3A_299 : i32 to vector<16xi32>
    %add3A_301 = arith.addi %mul3A_295, %add3A_300 : vector<16xi32>
    tpu.vector_store_idx %arg11[%add3A_301], %mul3A_216 : memref<256xf32, #tpu.memory_space<vmem>>[vector<16xi32>], vector<16xf32>,
    %add3A_302 = arith.constant 2 : i32
    %add3A_303 = vector.broadcast %add3A_302 : i32 to vector<16xi32>
    %add3A_304 = arith.addi %mul3A_295, %add3A_303 : vector<16xi32>
    tpu.vector_store_idx %arg11[%add3A_304], %mul3A_222 : memref<256xf32, #tpu.memory_space<vmem>>[vector<16xi32>], vector<16xf32>,
    %add3A_305 = arith.constant 3 : i32
    %add3A_306 = vector.broadcast %add3A_305 : i32 to vector<16xi32>
    %add3A_307 = arith.addi %mul3A_295, %add3A_306 : vector<16xi32>
    tpu.vector_store_idx %arg11[%add3A_307], %mul3A_228 : memref<256xf32, #tpu.memory_space<vmem>>[vector<16xi32>], vector<16xf32>,
    %add3A_308 = arith.constant 4 : i32
    %add3A_309 = vector.broadcast %add3A_308 : i32 to vector<16xi32>
    %add3A_310 = arith.addi %mul3A_295, %add3A_309 : vector<16xi32>
    tpu.vector_store_idx %arg11[%add3A_310], %sub3A_235 : memref<256xf32, #tpu.memory_space<vmem>>[vector<16xi32>], vector<16xf32>,
    %add3A_311 = arith.constant 5 : i32
    %add3A_312 = vector.broadcast %add3A_311 : i32 to vector<16xi32>
    %add3A_313 = arith.addi %mul3A_295, %add3A_312 : vector<16xi32>
    tpu.vector_store_idx %arg11[%add3A_313], %mul3A_241 : memref<256xf32, #tpu.memory_space<vmem>>[vector<16xi32>], vector<16xf32>,
    %add3A_314 = arith.constant 6 : i32
    %add3A_315 = vector.broadcast %add3A_314 : i32 to vector<16xi32>
    %add3A_316 = arith.addi %mul3A_295, %add3A_315 : vector<16xi32>
    tpu.vector_store_idx %arg11[%add3A_316], %mul3A_247 : memref<256xf32, #tpu.memory_space<vmem>>[vector<16xi32>], vector<16xf32>,
    %add3A_317 = arith.constant 7 : i32
    %add3A_318 = vector.broadcast %add3A_317 : i32 to vector<16xi32>
    %add3A_319 = arith.addi %mul3A_295, %add3A_318 : vector<16xi32>
    tpu.vector_store_idx %arg11[%add3A_319], %mul3A_253 : memref<256xf32, #tpu.memory_space<vmem>>[vector<16xi32>], vector<16xf32>,
    %add3A_320 = arith.constant 8 : i32
    %add3A_321 = vector.broadcast %add3A_320 : i32 to vector<16xi32>
    %add3A_322 = arith.addi %mul3A_295, %add3A_321 : vector<16xi32>
    tpu.vector_store_idx %arg11[%add3A_322], %add3A_260 : memref<256xf32, #tpu.memory_space<vmem>>[vector<16xi32>], vector<16xf32>,
    %add3A_323 = arith.constant 9 : i32
    %add3A_324 = vector.broadcast %add3A_323 : i32 to vector<16xi32>
    %add3A_325 = arith.addi %mul3A_295, %add3A_324 : vector<16xi32>
    tpu.vector_store_idx %arg11[%add3A_325], %neg3A_270 : memref<256xf32, #tpu.memory_space<vmem>>[vector<16xi32>], vector<16xf32>,
    %add3A_326 = arith.constant 10 : i32
    %add3A_327 = vector.broadcast %add3A_326 : i32 to vector<16xi32>
    %add3A_328 = arith.addi %mul3A_295, %add3A_327 : vector<16xi32>
    tpu.vector_store_idx %arg11[%add3A_328], %neg3A_281 : memref<256xf32, #tpu.memory_space<vmem>>[vector<16xi32>], vector<16xf32>,
    %add3A_329 = arith.constant 11 : i32
    %add3A_330 = vector.broadcast %add3A_329 : i32 to vector<16xi32>
    %add3A_331 = arith.addi %mul3A_295, %add3A_330 : vector<16xi32>
    tpu.vector_store_idx %arg11[%add3A_331], %neg3A_292 : memref<256xf32, #tpu.memory_space<vmem>>[vector<16xi32>], vector<16xf32>,
    %jit3A_332 = arith.constant 4 : i32
    %eq3A_333 = arith.constant 0 : i32
    %eq3A_334 = arith.cmpi eq, %jit3A_332, %eq3A_333 : i32
    %jit3A_335 = arith.constant 1 : i32
    %select_n3A_336 = arith.select %eq3A_334, %jit3A_335, %jit3A_332 : i32
    %rem3A_337 = arith.remsi %add3A, %select_n3A_336 : i32
    %ne3A_338 = arith.constant 0 : i32
    %ne3A_339 = arith.cmpi ne, %rem3A_337, %ne3A_338 : i32
    %lt3A_340 = arith.constant 0 : i32
    %lt3A_341 = arith.cmpi slt, %rem3A_337, %lt3A_340 : i32
    %lt3A_342 = arith.constant 0 : i32
    %lt3A_343 = arith.cmpi slt, %select_n3A_336, %lt3A_342 : i32
    %ne3A_344 = arith.xori %lt3A_341, %lt3A_343 : i1
    %and3A_345 = arith.andi %ne3A_344, %ne3A_339 : i1
    %add3A_346 = arith.addi %rem3A_337, %select_n3A_336 : i32
    %select_n3A_347 = arith.select %and3A_345, %add3A_346, %rem3A_337 : i32
    %mul3A_348 = arith.constant 4 : i32
    %mul3A_349 = arith.muli %select_n3A_347, %mul3A_348 : i32
    %scan3A_350 = arith.constant 0 : i32
    %scan3A_351 = arith.constant 0 : i32
    %scan3A_352 = arith.constant 16 : i32
    %scan3A_353 = arith.addi %scan3A_351, %scan3A_352 : i32
    %scan3A_354 = arith.constant 1 : i32
    %scan3A_355 = scf.for %scan3A_381 = %scan3A_351 to %scan3A_353 step %scan3A_354 iter_args(%scan3A_382 = %scan3A_350) -> (i32)  : i32 {
      %jit3A_383 = arith.constant 4 : i32
      %div3A_384 = arith.divsi %scan3A_381, %jit3A_383 : i32
      %sign3A_385 = arith.constant 0 : i32
      %sign3A_386 = arith.cmpi sgt, %scan3A_381, %sign3A_385 : i32
      %sign3A_387 = arith.extui %sign3A_386 : i1 to i32
      %sign3A_388 = arith.constant 0 : i32
      %sign3A_389 = arith.cmpi slt, %scan3A_381, %sign3A_388 : i32
      %sign3A_390 = arith.extui %sign3A_389 : i1 to i32
      %sign3A_391 = arith.subi %sign3A_387, %sign3A_390 : i32
      %sign3A_392 = arith.constant 0 : i32
      %sign3A_393 = arith.cmpi sgt, %jit3A_383, %sign3A_392 : i32
      %sign3A_394 = arith.extui %sign3A_393 : i1 to i32
      %sign3A_395 = arith.constant 0 : i32
      %sign3A_396 = arith.cmpi slt, %jit3A_383, %sign3A_395 : i32
      %sign3A_397 = arith.extui %sign3A_396 : i1 to i32
      %sign3A_398 = arith.subi %sign3A_394, %sign3A_397 : i32
      %ne3A_399 = arith.cmpi ne, %sign3A_391, %sign3A_398 : i32
      %rem3A_400 = arith.remsi %scan3A_381, %jit3A_383 : i32
      %ne3A_401 = arith.constant 0 : i32
      %ne3A_402 = arith.cmpi ne, %rem3A_400, %ne3A_401 : i32
      %and3A_403 = arith.andi %ne3A_399, %ne3A_402 : i1
      %sub3A_404 = arith.constant 1 : i32
      %sub3A_405 = arith.subi %div3A_384, %sub3A_404 : i32
      %select_n3A_406 = arith.select %and3A_403, %sub3A_405, %div3A_384 : i32
      %add3A_407 = arith.addi %mul3A_349, %select_n3A_406 : i32
      %mul3A_408 = arith.constant 16 : i32
      %mul3A_409 = arith.muli %add3A_407, %mul3A_408 : i32
      %multiple_of3A = tpu.assume_multiple %mul3A_409, 16 : i32
      %get3A_410 = arith.index_cast %multiple_of3A : i32 to index
      %get3A_411 = tpu.vector_load %arg11[%get3A_410] {strides = array<i32>} : memref<256xf32, #tpu.memory_space<vmem>>, vector<16xf32>,
      %slice3A = vector.extract_strided_slice %get3A_411 {offsets = [0], sizes = [1], strides = [1]} : vector<16xf32> to vector<1xf32>
      %squeeze3A = vector.extract %slice3A[0] : f32 from vector<1xf32>
      %slice3A_412 = vector.extract_strided_slice %get3A_411 {offsets = [1], sizes = [1], strides = [1]} : vector<16xf32> to vector<1xf32>
      %squeeze3A_413 = vector.extract %slice3A_412[0] : f32 from vector<1xf32>
      %slice3A_414 = vector.extract_strided_slice %get3A_411 {offsets = [2], sizes = [1], strides = [1]} : vector<16xf32> to vector<1xf32>
      %squeeze3A_415 = vector.extract %slice3A_414[0] : f32 from vector<1xf32>
      %slice3A_416 = vector.extract_strided_slice %get3A_411 {offsets = [3], sizes = [1], strides = [1]} : vector<16xf32> to vector<1xf32>
      %squeeze3A_417 = vector.extract %slice3A_416[0] : f32 from vector<1xf32>
      %slice3A_418 = vector.extract_strided_slice %get3A_411 {offsets = [4], sizes = [1], strides = [1]} : vector<16xf32> to vector<1xf32>
      %squeeze3A_419 = vector.extract %slice3A_418[0] : f32 from vector<1xf32>
      %slice3A_420 = vector.extract_strided_slice %get3A_411 {offsets = [5], sizes = [1], strides = [1]} : vector<16xf32> to vector<1xf32>
      %squeeze3A_421 = vector.extract %slice3A_420[0] : f32 from vector<1xf32>
      %slice3A_422 = vector.extract_strided_slice %get3A_411 {offsets = [6], sizes = [1], strides = [1]} : vector<16xf32> to vector<1xf32>
      %squeeze3A_423 = vector.extract %slice3A_422[0] : f32 from vector<1xf32>
      %slice3A_424 = vector.extract_strided_slice %get3A_411 {offsets = [7], sizes = [1], strides = [1]} : vector<16xf32> to vector<1xf32>
      %squeeze3A_425 = vector.extract %slice3A_424[0] : f32 from vector<1xf32>
      %slice3A_426 = vector.extract_strided_slice %get3A_411 {offsets = [8], sizes = [1], strides = [1]} : vector<16xf32> to vector<1xf32>
      %squeeze3A_427 = vector.extract %slice3A_426[0] : f32 from vector<1xf32>
      %slice3A_428 = vector.extract_strided_slice %get3A_411 {offsets = [9], sizes = [1], strides = [1]} : vector<16xf32> to vector<1xf32>
      %squeeze3A_429 = vector.extract %slice3A_428[0] : f32 from vector<1xf32>
      %slice3A_430 = vector.extract_strided_slice %get3A_411 {offsets = [10], sizes = [1], strides = [1]} : vector<16xf32> to vector<1xf32>
      %squeeze3A_431 = vector.extract %slice3A_430[0] : f32 from vector<1xf32>
      %slice3A_432 = vector.extract_strided_slice %get3A_411 {offsets = [11], sizes = [1], strides = [1]} : vector<16xf32> to vector<1xf32>
      %squeeze3A_433 = vector.extract %slice3A_432[0] : f32 from vector<1xf32>
      %scan3A_434 = arith.constant 0 : i32
      %scan3A_435 = arith.constant 0 : i32
      %scan3A_436 = arith.constant 8 : i32
      %scan3A_437 = arith.addi %scan3A_435, %scan3A_436 : i32
      %scan3A_438 = arith.constant 1 : i32
      %scan3A_439 = scf.for %scan3A_488 = %scan3A_435 to %scan3A_437 step %scan3A_438 iter_args(%scan3A_489 = %scan3A_434) -> (i32)  : i32 {
        %mul3A_490 = arith.constant 128 : i32
        %mul3A_491 = arith.muli %scan3A_381, %mul3A_490 : i32
        %mul3A_492 = arith.constant 16 : i32
        %mul3A_493 = arith.muli %scan3A_488, %mul3A_492 : i32
        %add3A_494 = arith.addi %mul3A_491, %mul3A_493 : i32
        %multiple_of3A_495 = tpu.assume_multiple %add3A_494, 16 : i32
        %get3A_496 = arith.index_cast %multiple_of3A_495 : i32 to index
        %get3A_497 = tpu.vector_load %arg7[%get3A_496] {strides = array<i32>} : memref<2048xf32, #tpu.memory_space<vmem>>, vector<16xf32>,
        %get3A_498 = arith.index_cast %multiple_of3A_495 : i32 to index
        %get3A_499 = tpu.vector_load %arg8[%get3A_498] {strides = array<i32>} : memref<2048xf32, #tpu.memory_space<vmem>>, vector<16xf32>,
        %get3A_500 = arith.index_cast %multiple_of3A_495 : i32 to index
        %get3A_501 = tpu.vector_load %arg9[%get3A_500] {strides = array<i32>} : memref<2048xf32, #tpu.memory_space<vmem>>, vector<16xf32>,
        %mul3A_502 = vector.broadcast %squeeze3A : f32 to vector<16xf32>
        %mul3A_503 = arith.mulf %mul3A_502, %get3A_497 : vector<16xf32>
        %mul3A_504 = vector.broadcast %squeeze3A_413 : f32 to vector<16xf32>
        %mul3A_505 = arith.mulf %mul3A_504, %get3A_499 : vector<16xf32>
        %add3A_506 = arith.addf %mul3A_503, %mul3A_505 : vector<16xf32>
        %mul3A_507 = vector.broadcast %squeeze3A_415 : f32 to vector<16xf32>
        %mul3A_508 = arith.mulf %mul3A_507, %get3A_501 : vector<16xf32>
        %add3A_509 = arith.addf %add3A_506, %mul3A_508 : vector<16xf32>
        %add3A_510 = vector.broadcast %squeeze3A_429 : f32 to vector<16xf32>
        %add3A_511 = arith.addf %add3A_509, %add3A_510 : vector<16xf32>
        %mul3A_512 = vector.broadcast %squeeze3A_417 : f32 to vector<16xf32>
        %mul3A_513 = arith.mulf %mul3A_512, %get3A_497 : vector<16xf32>
        %mul3A_514 = vector.broadcast %squeeze3A_419 : f32 to vector<16xf32>
        %mul3A_515 = arith.mulf %mul3A_514, %get3A_499 : vector<16xf32>
        %add3A_516 = arith.addf %mul3A_513, %mul3A_515 : vector<16xf32>
        %mul3A_517 = vector.broadcast %squeeze3A_421 : f32 to vector<16xf32>
        %mul3A_518 = arith.mulf %mul3A_517, %get3A_501 : vector<16xf32>
        %add3A_519 = arith.addf %add3A_516, %mul3A_518 : vector<16xf32>
        %add3A_520 = vector.broadcast %squeeze3A_431 : f32 to vector<16xf32>
        %add3A_521 = arith.addf %add3A_519, %add3A_520 : vector<16xf32>
        %mul3A_522 = vector.broadcast %squeeze3A_423 : f32 to vector<16xf32>
        %mul3A_523 = arith.mulf %mul3A_522, %get3A_497 : vector<16xf32>
        %mul3A_524 = vector.broadcast %squeeze3A_425 : f32 to vector<16xf32>
        %mul3A_525 = arith.mulf %mul3A_524, %get3A_499 : vector<16xf32>
        %add3A_526 = arith.addf %mul3A_523, %mul3A_525 : vector<16xf32>
        %mul3A_527 = vector.broadcast %squeeze3A_427 : f32 to vector<16xf32>
        %mul3A_528 = arith.mulf %mul3A_527, %get3A_501 : vector<16xf32>
        %add3A_529 = arith.addf %add3A_526, %mul3A_528 : vector<16xf32>
        %add3A_530 = vector.broadcast %squeeze3A_433 : f32 to vector<16xf32>
        %add3A_531 = arith.addf %add3A_529, %add3A_530 : vector<16xf32>
        %add3A_532 = arith.constant 5.000000e-01 : f32
        %add3A_533 = vector.broadcast %add3A_532 : f32 to vector<16xf32>
        %add3A_534 = arith.addf %add3A_511, %add3A_533 : vector<16xf32>
        %mul3A_535 = arith.constant 3.200000e+01 : f32
        %mul3A_536 = vector.broadcast %mul3A_535 : f32 to vector<16xf32>
        %mul3A_537 = arith.mulf %add3A_534, %mul3A_536 : vector<16xf32>
        %sub3A_538 = arith.constant 5.000000e-01 : f32
        %sub3A_539 = vector.broadcast %sub3A_538 : f32 to vector<16xf32>
        %sub3A_540 = arith.subf %mul3A_537, %sub3A_539 : vector<16xf32>
        %convert_element_type3A = arith.fptosi %sub3A_540 : vector<16xf32> to vector<16xi32>
        %convert_element_type3A_541 = arith.sitofp %convert_element_type3A : vector<16xi32> to vector<16xf32>
        %gt3A = arith.cmpf ogt, %sub3A_540, %convert_element_type3A_541 : vector<16xf32>
        %jit3A_542 = arith.constant 1 : i32
        %jit3A_543 = arith.constant 0 : i32
        %broadcast_in_dim3A_544 = vector.broadcast %jit3A_542 : i32 to vector<16xi32>
        %broadcast_in_dim3A_545 = vector.broadcast %jit3A_543 : i32 to vector<16xi32>
        %select_n3A_546 = arith.select %gt3A, %broadcast_in_dim3A_544, %broadcast_in_dim3A_545 : vector<16xi1>, vector<16xi32>
        %add3A_547 = arith.addi %convert_element_type3A, %select_n3A_546 : vector<16xi32>
        %add3A_548 = arith.constant 5.000000e-01 : f32
        %add3A_549 = vector.broadcast %add3A_548 : f32 to vector<16xf32>
        %add3A_550 = arith.addf %add3A_521, %add3A_549 : vector<16xf32>
        %mul3A_551 = arith.constant 3.200000e+01 : f32
        %mul3A_552 = vector.broadcast %mul3A_551 : f32 to vector<16xf32>
        %mul3A_553 = arith.mulf %add3A_550, %mul3A_552 : vector<16xf32>
        %sub3A_554 = arith.constant 5.000000e-01 : f32
        %sub3A_555 = vector.broadcast %sub3A_554 : f32 to vector<16xf32>
        %sub3A_556 = arith.subf %mul3A_553, %sub3A_555 : vector<16xf32>
        %convert_element_type3A_557 = arith.fptosi %sub3A_556 : vector<16xf32> to vector<16xi32>
        %convert_element_type3A_558 = arith.sitofp %convert_element_type3A_557 : vector<16xi32> to vector<16xf32>
        %gt3A_559 = arith.cmpf ogt, %sub3A_556, %convert_element_type3A_558 : vector<16xf32>
        %jit3A_560 = arith.constant 1 : i32
        %jit3A_561 = arith.constant 0 : i32
        %broadcast_in_dim3A_562 = vector.broadcast %jit3A_560 : i32 to vector<16xi32>
        %broadcast_in_dim3A_563 = vector.broadcast %jit3A_561 : i32 to vector<16xi32>
        %select_n3A_564 = arith.select %gt3A_559, %broadcast_in_dim3A_562, %broadcast_in_dim3A_563 : vector<16xi1>, vector<16xi32>
        %add3A_565 = arith.addi %convert_element_type3A_557, %select_n3A_564 : vector<16xi32>
        %add3A_566 = arith.constant 5.000000e-01 : f32
        %add3A_567 = vector.broadcast %add3A_566 : f32 to vector<16xf32>
        %add3A_568 = arith.addf %add3A_531, %add3A_567 : vector<16xf32>
        %mul3A_569 = arith.constant 3.200000e+01 : f32
        %mul3A_570 = vector.broadcast %mul3A_569 : f32 to vector<16xf32>
        %mul3A_571 = arith.mulf %add3A_568, %mul3A_570 : vector<16xf32>
        %sub3A_572 = arith.constant 5.000000e-01 : f32
        %sub3A_573 = vector.broadcast %sub3A_572 : f32 to vector<16xf32>
        %sub3A_574 = arith.subf %mul3A_571, %sub3A_573 : vector<16xf32>
        %convert_element_type3A_575 = arith.fptosi %sub3A_574 : vector<16xf32> to vector<16xi32>
        %convert_element_type3A_576 = arith.sitofp %convert_element_type3A_575 : vector<16xi32> to vector<16xf32>
        %gt3A_577 = arith.cmpf ogt, %sub3A_574, %convert_element_type3A_576 : vector<16xf32>
        %jit3A_578 = arith.constant 1 : i32
        %jit3A_579 = arith.constant 0 : i32
        %broadcast_in_dim3A_580 = vector.broadcast %jit3A_578 : i32 to vector<16xi32>
        %broadcast_in_dim3A_581 = vector.broadcast %jit3A_579 : i32 to vector<16xi32>
        %select_n3A_582 = arith.select %gt3A_577, %broadcast_in_dim3A_580, %broadcast_in_dim3A_581 : vector<16xi1>, vector<16xi32>
        %add3A_583 = arith.addi %convert_element_type3A_575, %select_n3A_582 : vector<16xi32>
        %mul3A_584 = arith.constant 1024 : i32
        %mul3A_585 = vector.broadcast %mul3A_584 : i32 to vector<16xi32>
        %mul3A_586 = arith.muli %add3A_547, %mul3A_585 : vector<16xi32>
        %mul3A_587 = arith.constant 32 : i32
        %mul3A_588 = vector.broadcast %mul3A_587 : i32 to vector<16xi32>
        %mul3A_589 = arith.muli %add3A_565, %mul3A_588 : vector<16xi32>
        %add3A_590 = arith.addi %mul3A_586, %mul3A_589 : vector<16xi32>
        %add3A_591 = arith.addi %add3A_590, %add3A_583 : vector<16xi32>
        %max3A = arith.constant 0 : i32
        %max3A_592 = vector.broadcast %max3A : i32 to vector<16xi32>
        %max3A_593 = arith.maxsi %add3A_591, %max3A_592 : vector<16xi32>
        %min3A = arith.constant 32767 : i32
        %min3A_594 = vector.broadcast %min3A : i32 to vector<16xi32>
        %min3A_595 = arith.minsi %max3A_593, %min3A_594 : vector<16xi32>
        %swap3A_596 = arith.index_cast %multiple_of3A_495 : i32 to index
        %swap3A_597 = tpu.vector_load %arg18[%swap3A_596] {strides = array<i32>} : memref<2048xf32, #tpu.memory_space<vmem>>, vector<16xf32>,
        tpu.vector_store %arg18[%swap3A_596], %add3A_511 {strides = array<i32>} : memref<2048xf32, #tpu.memory_space<vmem>>, vector<16xf32>,
        %swap3A_598 = arith.index_cast %multiple_of3A_495 : i32 to index
        %swap3A_599 = tpu.vector_load %arg19[%swap3A_598] {strides = array<i32>} : memref<2048xf32, #tpu.memory_space<vmem>>, vector<16xf32>,
        tpu.vector_store %arg19[%swap3A_598], %add3A_521 {strides = array<i32>} : memref<2048xf32, #tpu.memory_space<vmem>>, vector<16xf32>,
        %swap3A_600 = arith.index_cast %multiple_of3A_495 : i32 to index
        %swap3A_601 = tpu.vector_load %arg20[%swap3A_600] {strides = array<i32>} : memref<2048xf32, #tpu.memory_space<vmem>>, vector<16xf32>,
        tpu.vector_store %arg20[%swap3A_600], %add3A_531 {strides = array<i32>} : memref<2048xf32, #tpu.memory_space<vmem>>, vector<16xf32>,
        %mul3A_602 = arith.constant 16 : i32
        %mul3A_603 = arith.muli %scan3A_488, %mul3A_602 : i32
        %multiple_of3A_604 = tpu.assume_multiple %mul3A_603, 16 : i32
        %swap3A_605 = arith.index_cast %scan3A_381 : i32 to index
        %swap3A_606 = arith.index_cast %multiple_of3A_604 : i32 to index
        %swap3A_607 = tpu.vector_load %arg13[%swap3A_605, %swap3A_606] {strides = array<i32>} : memref<16x128xi32, #tpu.memory_space<vmem>>, vector<16xi32>,
        tpu.vector_store %arg13[%swap3A_605, %swap3A_606], %min3A_595 {strides = array<i32>} : memref<16x128xi32, #tpu.memory_space<vmem>>, vector<16xi32>,
        %scan3A_608 = arith.constant 0 : i32
        scf.yield %scan3A_608 : i32
      }
      %scan3A_440 = arith.constant 8 : i32
      %dma_start3A = arith.constant 0 : i32
      %dma_start3A_441 = arith.constant 0 : i32
      %dma_start3A_442 = tpu.memref_slice %arg14[%scan3A_381, %dma_start3A_441] : memref<16x128xf32, #tpu.memory_space<vmem>> -> memref<1x128xf32, #tpu.memory_space<vmem>>
      %dma_start3A_443 = tpu.memref_squeeze %dma_start3A_442 : memref<1x128xf32, #tpu.memory_space<vmem>> -> memref<128xf32, #tpu.memory_space<vmem>>
      %dma_start3A_444 = arith.constant 0 : i32
      %dma_start3A_445 = tpu.memref_slice %arg13[%scan3A_381, %dma_start3A_444] : memref<16x128xi32, #tpu.memory_space<vmem>> -> memref<1x128xi32, #tpu.memory_space<vmem>>
      %dma_start3A_446 = tpu.memref_squeeze %dma_start3A_445 : memref<1x128xi32, #tpu.memory_space<vmem>> -> memref<128xi32, #tpu.memory_space<vmem>>
      %dma_start3A_447 = arith.constant 0 : i32
      %dma_start3A_448 = tpu.memref_slice %arg3[%dma_start3A, %select_n3A, %dma_start3A_447] : memref<3x8x32768xf32, #tpu.memory_space<hbm>> -> memref<1x1x32768xf32, #tpu.memory_space<hbm>>
      %dma_start3A_449 = tpu.memref_squeeze %dma_start3A_448 : memref<1x1x32768xf32, #tpu.memory_space<hbm>> -> memref<32768xf32, #tpu.memory_space<hbm>>
      %dma_start3A_450 = arith.constant 0 : i32
      %dma_start3A_451 = tpu.memref_slice %dma_start3A_449[%dma_start3A_450] : memref<32768xf32, #tpu.memory_space<hbm>> -> memref<32768xf32, #tpu.memory_space<hbm>>
      tpu.enqueue_indirect_dma source(%dma_start3A_451 : memref<32768xf32, #tpu.memory_space<hbm>>) target(%dma_start3A_443 : memref<128xf32, #tpu.memory_space<vmem>>) offsets(%dma_start3A_446 : memref<128xi32, #tpu.memory_space<vmem>>) semaphore(%arg23 : memref<!tpu.dma_semaphore, #tpu.memory_space<semaphore_mem>>)
      %dma_start3A_452 = arith.constant 1 : i32
      %dma_start3A_453 = arith.constant 0 : i32
      %dma_start3A_454 = tpu.memref_slice %arg15[%scan3A_381, %dma_start3A_453] : memref<16x128xf32, #tpu.memory_space<vmem>> -> memref<1x128xf32, #tpu.memory_space<vmem>>
      %dma_start3A_455 = tpu.memref_squeeze %dma_start3A_454 : memref<1x128xf32, #tpu.memory_space<vmem>> -> memref<128xf32, #tpu.memory_space<vmem>>
      %dma_start3A_456 = arith.constant 0 : i32
      %dma_start3A_457 = tpu.memref_slice %arg13[%scan3A_381, %dma_start3A_456] : memref<16x128xi32, #tpu.memory_space<vmem>> -> memref<1x128xi32, #tpu.memory_space<vmem>>
      %dma_start3A_458 = tpu.memref_squeeze %dma_start3A_457 : memref<1x128xi32, #tpu.memory_space<vmem>> -> memref<128xi32, #tpu.memory_space<vmem>>
      %dma_start3A_459 = arith.constant 0 : i32
      %dma_start3A_460 = tpu.memref_slice %arg3[%dma_start3A_452, %select_n3A, %dma_start3A_459] : memref<3x8x32768xf32, #tpu.memory_space<hbm>> -> memref<1x1x32768xf32, #tpu.memory_space<hbm>>
      %dma_start3A_461 = tpu.memref_squeeze %dma_start3A_460 : memref<1x1x32768xf32, #tpu.memory_space<hbm>> -> memref<32768xf32, #tpu.memory_space<hbm>>
      %dma_start3A_462 = arith.constant 0 : i32
      %dma_start3A_463 = tpu.memref_slice %dma_start3A_461[%dma_start3A_462] : memref<32768xf32, #tpu.memory_space<hbm>> -> memref<32768xf32, #tpu.memory_space<hbm>>
      tpu.enqueue_indirect_dma source(%dma_start3A_463 : memref<32768xf32, #tpu.memory_space<hbm>>) target(%dma_start3A_455 : memref<128xf32, #tpu.memory_space<vmem>>) offsets(%dma_start3A_458 : memref<128xi32, #tpu.memory_space<vmem>>) semaphore(%arg23 : memref<!tpu.dma_semaphore, #tpu.memory_space<semaphore_mem>>)
      %dma_start3A_464 = arith.constant 2 : i32
      %dma_start3A_465 = arith.constant 0 : i32
      %dma_start3A_466 = tpu.memref_slice %arg16[%scan3A_381, %dma_start3A_465] : memref<16x128xf32, #tpu.memory_space<vmem>> -> memref<1x128xf32, #tpu.memory_space<vmem>>
      %dma_start3A_467 = tpu.memref_squeeze %dma_start3A_466 : memref<1x128xf32, #tpu.memory_space<vmem>> -> memref<128xf32, #tpu.memory_space<vmem>>
      %dma_start3A_468 = arith.constant 0 : i32
      %dma_start3A_469 = tpu.memref_slice %arg13[%scan3A_381, %dma_start3A_468] : memref<16x128xi32, #tpu.memory_space<vmem>> -> memref<1x128xi32, #tpu.memory_space<vmem>>
      %dma_start3A_470 = tpu.memref_squeeze %dma_start3A_469 : memref<1x128xi32, #tpu.memory_space<vmem>> -> memref<128xi32, #tpu.memory_space<vmem>>
      %dma_start3A_471 = arith.constant 0 : i32
      %dma_start3A_472 = tpu.memref_slice %arg3[%dma_start3A_464, %select_n3A, %dma_start3A_471] : memref<3x8x32768xf32, #tpu.memory_space<hbm>> -> memref<1x1x32768xf32, #tpu.memory_space<hbm>>
      %dma_start3A_473 = tpu.memref_squeeze %dma_start3A_472 : memref<1x1x32768xf32, #tpu.memory_space<hbm>> -> memref<32768xf32, #tpu.memory_space<hbm>>
      %dma_start3A_474 = arith.constant 0 : i32
      %dma_start3A_475 = tpu.memref_slice %dma_start3A_473[%dma_start3A_474] : memref<32768xf32, #tpu.memory_space<hbm>> -> memref<32768xf32, #tpu.memory_space<hbm>>
      tpu.enqueue_indirect_dma source(%dma_start3A_475 : memref<32768xf32, #tpu.memory_space<hbm>>) target(%dma_start3A_467 : memref<128xf32, #tpu.memory_space<vmem>>) offsets(%dma_start3A_470 : memref<128xi32, #tpu.memory_space<vmem>>) semaphore(%arg23 : memref<!tpu.dma_semaphore, #tpu.memory_space<semaphore_mem>>)
      %dma_start3A_476 = arith.constant 0 : i32
      %dma_start3A_477 = tpu.memref_slice %arg17[%scan3A_381, %dma_start3A_476] : memref<16x128xf32, #tpu.memory_space<vmem>> -> memref<1x128xf32, #tpu.memory_space<vmem>>
      %dma_start3A_478 = tpu.memref_squeeze %dma_start3A_477 : memref<1x128xf32, #tpu.memory_space<vmem>> -> memref<128xf32, #tpu.memory_space<vmem>>
      %dma_start3A_479 = arith.constant 0 : i32
      %dma_start3A_480 = tpu.memref_slice %arg13[%scan3A_381, %dma_start3A_479] : memref<16x128xi32, #tpu.memory_space<vmem>> -> memref<1x128xi32, #tpu.memory_space<vmem>>
      %dma_start3A_481 = tpu.memref_squeeze %dma_start3A_480 : memref<1x128xi32, #tpu.memory_space<vmem>> -> memref<128xi32, #tpu.memory_space<vmem>>
      %dma_start3A_482 = arith.constant 0 : i32
      %dma_start3A_483 = tpu.memref_slice %arg4[%select_n3A, %dma_start3A_482] : memref<8x32768xf32, #tpu.memory_space<hbm>> -> memref<1x32768xf32, #tpu.memory_space<hbm>>
      %dma_start3A_484 = tpu.memref_squeeze %dma_start3A_483 : memref<1x32768xf32, #tpu.memory_space<hbm>> -> memref<32768xf32, #tpu.memory_space<hbm>>
      %dma_start3A_485 = arith.constant 0 : i32
      %dma_start3A_486 = tpu.memref_slice %dma_start3A_484[%dma_start3A_485] : memref<32768xf32, #tpu.memory_space<hbm>> -> memref<32768xf32, #tpu.memory_space<hbm>>
      tpu.enqueue_indirect_dma source(%dma_start3A_486 : memref<32768xf32, #tpu.memory_space<hbm>>) target(%dma_start3A_478 : memref<128xf32, #tpu.memory_space<vmem>>) offsets(%dma_start3A_481 : memref<128xi32, #tpu.memory_space<vmem>>) semaphore(%arg23 : memref<!tpu.dma_semaphore, #tpu.memory_space<semaphore_mem>>)
      %scan3A_487 = arith.constant 0 : i32
      scf.yield %scan3A_487 : i32
    }
    %scan3A_356 = arith.constant 16 : i32
    %broadcast_in_dim3A_357 = arith.constant 0.000000e+00 : f32
    %broadcast_in_dim3A_358 = vector.broadcast %broadcast_in_dim3A_357 : f32 to vector<16xf32>
    %scan3A_359 = arith.constant 0 : i32
    %scan3A_360 = arith.constant 16 : i32
    %scan3A_361 = arith.addi %scan3A_359, %scan3A_360 : i32
    %scan3A_362 = arith.constant 1 : i32
    %scan3A_363 = scf.for %scan3A_381 = %scan3A_359 to %scan3A_361 step %scan3A_362 iter_args(%scan3A_382 = %broadcast_in_dim3A_358) -> (vector<16xf32>)  : i32 {
      %dma_wait3A = arith.constant 0 : i32
      %dma_wait3A_383 = arith.constant 0 : i32
      %dma_wait3A_384 = tpu.memref_slice %arg14[%scan3A_381, %dma_wait3A_383] : memref<16x128xf32, #tpu.memory_space<vmem>> -> memref<1x128xf32, #tpu.memory_space<vmem>>
      %dma_wait3A_385 = tpu.memref_squeeze %dma_wait3A_384 : memref<1x128xf32, #tpu.memory_space<vmem>> -> memref<128xf32, #tpu.memory_space<vmem>>
      %dma_wait3A_386 = arith.constant 0 : i32
      %dma_wait3A_387 = tpu.memref_slice %arg13[%scan3A_381, %dma_wait3A_386] : memref<16x128xi32, #tpu.memory_space<vmem>> -> memref<1x128xi32, #tpu.memory_space<vmem>>
      %dma_wait3A_388 = tpu.memref_squeeze %dma_wait3A_387 : memref<1x128xi32, #tpu.memory_space<vmem>> -> memref<128xi32, #tpu.memory_space<vmem>>
      %dma_wait3A_389 = arith.constant 0 : i32
      %dma_wait3A_390 = tpu.memref_slice %arg3[%dma_wait3A, %select_n3A, %dma_wait3A_389] : memref<3x8x32768xf32, #tpu.memory_space<hbm>> -> memref<1x1x32768xf32, #tpu.memory_space<hbm>>
      %dma_wait3A_391 = tpu.memref_squeeze %dma_wait3A_390 : memref<1x1x32768xf32, #tpu.memory_space<hbm>> -> memref<32768xf32, #tpu.memory_space<hbm>>
      %dma_wait3A_392 = arith.constant 0 : i32
      %dma_wait3A_393 = tpu.memref_slice %dma_wait3A_391[%dma_wait3A_392] : memref<32768xf32, #tpu.memory_space<hbm>> -> memref<32768xf32, #tpu.memory_space<hbm>>
      tpu.wait_indirect_dma semaphore(%arg23 : memref<!tpu.dma_semaphore, #tpu.memory_space<semaphore_mem>>) src(%dma_wait3A_393 : memref<32768xf32, #tpu.memory_space<hbm>>) dst(%dma_wait3A_385 : memref<128xf32, #tpu.memory_space<vmem>>)
      %dma_wait3A_394 = arith.constant 1 : i32
      %dma_wait3A_395 = arith.constant 0 : i32
      %dma_wait3A_396 = tpu.memref_slice %arg15[%scan3A_381, %dma_wait3A_395] : memref<16x128xf32, #tpu.memory_space<vmem>> -> memref<1x128xf32, #tpu.memory_space<vmem>>
      %dma_wait3A_397 = tpu.memref_squeeze %dma_wait3A_396 : memref<1x128xf32, #tpu.memory_space<vmem>> -> memref<128xf32, #tpu.memory_space<vmem>>
      %dma_wait3A_398 = arith.constant 0 : i32
      %dma_wait3A_399 = tpu.memref_slice %arg13[%scan3A_381, %dma_wait3A_398] : memref<16x128xi32, #tpu.memory_space<vmem>> -> memref<1x128xi32, #tpu.memory_space<vmem>>
      %dma_wait3A_400 = tpu.memref_squeeze %dma_wait3A_399 : memref<1x128xi32, #tpu.memory_space<vmem>> -> memref<128xi32, #tpu.memory_space<vmem>>
      %dma_wait3A_401 = arith.constant 0 : i32
      %dma_wait3A_402 = tpu.memref_slice %arg3[%dma_wait3A_394, %select_n3A, %dma_wait3A_401] : memref<3x8x32768xf32, #tpu.memory_space<hbm>> -> memref<1x1x32768xf32, #tpu.memory_space<hbm>>
      %dma_wait3A_403 = tpu.memref_squeeze %dma_wait3A_402 : memref<1x1x32768xf32, #tpu.memory_space<hbm>> -> memref<32768xf32, #tpu.memory_space<hbm>>
      %dma_wait3A_404 = arith.constant 0 : i32
      %dma_wait3A_405 = tpu.memref_slice %dma_wait3A_403[%dma_wait3A_404] : memref<32768xf32, #tpu.memory_space<hbm>> -> memref<32768xf32, #tpu.memory_space<hbm>>
      tpu.wait_indirect_dma semaphore(%arg23 : memref<!tpu.dma_semaphore, #tpu.memory_space<semaphore_mem>>) src(%dma_wait3A_405 : memref<32768xf32, #tpu.memory_space<hbm>>) dst(%dma_wait3A_397 : memref<128xf32, #tpu.memory_space<vmem>>)
      %dma_wait3A_406 = arith.constant 2 : i32
      %dma_wait3A_407 = arith.constant 0 : i32
      %dma_wait3A_408 = tpu.memref_slice %arg16[%scan3A_381, %dma_wait3A_407] : memref<16x128xf32, #tpu.memory_space<vmem>> -> memref<1x128xf32, #tpu.memory_space<vmem>>
      %dma_wait3A_409 = tpu.memref_squeeze %dma_wait3A_408 : memref<1x128xf32, #tpu.memory_space<vmem>> -> memref<128xf32, #tpu.memory_space<vmem>>
      %dma_wait3A_410 = arith.constant 0 : i32
      %dma_wait3A_411 = tpu.memref_slice %arg13[%scan3A_381, %dma_wait3A_410] : memref<16x128xi32, #tpu.memory_space<vmem>> -> memref<1x128xi32, #tpu.memory_space<vmem>>
      %dma_wait3A_412 = tpu.memref_squeeze %dma_wait3A_411 : memref<1x128xi32, #tpu.memory_space<vmem>> -> memref<128xi32, #tpu.memory_space<vmem>>
      %dma_wait3A_413 = arith.constant 0 : i32
      %dma_wait3A_414 = tpu.memref_slice %arg3[%dma_wait3A_406, %select_n3A, %dma_wait3A_413] : memref<3x8x32768xf32, #tpu.memory_space<hbm>> -> memref<1x1x32768xf32, #tpu.memory_space<hbm>>
      %dma_wait3A_415 = tpu.memref_squeeze %dma_wait3A_414 : memref<1x1x32768xf32, #tpu.memory_space<hbm>> -> memref<32768xf32, #tpu.memory_space<hbm>>
      %dma_wait3A_416 = arith.constant 0 : i32
      %dma_wait3A_417 = tpu.memref_slice %dma_wait3A_415[%dma_wait3A_416] : memref<32768xf32, #tpu.memory_space<hbm>> -> memref<32768xf32, #tpu.memory_space<hbm>>
      tpu.wait_indirect_dma semaphore(%arg23 : memref<!tpu.dma_semaphore, #tpu.memory_space<semaphore_mem>>) src(%dma_wait3A_417 : memref<32768xf32, #tpu.memory_space<hbm>>) dst(%dma_wait3A_409 : memref<128xf32, #tpu.memory_space<vmem>>)
      %dma_wait3A_418 = arith.constant 0 : i32
      %dma_wait3A_419 = tpu.memref_slice %arg17[%scan3A_381, %dma_wait3A_418] : memref<16x128xf32, #tpu.memory_space<vmem>> -> memref<1x128xf32, #tpu.memory_space<vmem>>
      %dma_wait3A_420 = tpu.memref_squeeze %dma_wait3A_419 : memref<1x128xf32, #tpu.memory_space<vmem>> -> memref<128xf32, #tpu.memory_space<vmem>>
      %dma_wait3A_421 = arith.constant 0 : i32
      %dma_wait3A_422 = tpu.memref_slice %arg13[%scan3A_381, %dma_wait3A_421] : memref<16x128xi32, #tpu.memory_space<vmem>> -> memref<1x128xi32, #tpu.memory_space<vmem>>
      %dma_wait3A_423 = tpu.memref_squeeze %dma_wait3A_422 : memref<1x128xi32, #tpu.memory_space<vmem>> -> memref<128xi32, #tpu.memory_space<vmem>>
      %dma_wait3A_424 = arith.constant 0 : i32
      %dma_wait3A_425 = tpu.memref_slice %arg4[%select_n3A, %dma_wait3A_424] : memref<8x32768xf32, #tpu.memory_space<hbm>> -> memref<1x32768xf32, #tpu.memory_space<hbm>>
      %dma_wait3A_426 = tpu.memref_squeeze %dma_wait3A_425 : memref<1x32768xf32, #tpu.memory_space<hbm>> -> memref<32768xf32, #tpu.memory_space<hbm>>
      %dma_wait3A_427 = arith.constant 0 : i32
      %dma_wait3A_428 = tpu.memref_slice %dma_wait3A_426[%dma_wait3A_427] : memref<32768xf32, #tpu.memory_space<hbm>> -> memref<32768xf32, #tpu.memory_space<hbm>>
      tpu.wait_indirect_dma semaphore(%arg23 : memref<!tpu.dma_semaphore, #tpu.memory_space<semaphore_mem>>) src(%dma_wait3A_428 : memref<32768xf32, #tpu.memory_space<hbm>>) dst(%dma_wait3A_420 : memref<128xf32, #tpu.memory_space<vmem>>)
      %scan3A_429 = arith.constant 0 : i32
      %scan3A_430 = arith.constant 8 : i32
      %scan3A_431 = arith.addi %scan3A_429, %scan3A_430 : i32
      %scan3A_432 = arith.constant 1 : i32
      %scan3A_433 = scf.for %scan3A_435 = %scan3A_429 to %scan3A_431 step %scan3A_432 iter_args(%scan3A_436 = %scan3A_382) -> (vector<16xf32>)  : i32 {
        %mul3A_437 = arith.constant 128 : i32
        %mul3A_438 = arith.muli %scan3A_381, %mul3A_437 : i32
        %mul3A_439 = arith.constant 16 : i32
        %mul3A_440 = arith.muli %scan3A_435, %mul3A_439 : i32
        %add3A_441 = arith.addi %mul3A_438, %mul3A_440 : i32
        %multiple_of3A = tpu.assume_multiple %add3A_441, 16 : i32
        %mul3A_442 = arith.constant 16 : i32
        %mul3A_443 = arith.muli %scan3A_435, %mul3A_442 : i32
        %multiple_of3A_444 = tpu.assume_multiple %mul3A_443, 16 : i32
        %get3A_445 = arith.index_cast %scan3A_381 : i32 to index
        %get3A_446 = arith.index_cast %multiple_of3A_444 : i32 to index
        %get3A_447 = tpu.vector_load %arg17[%get3A_445, %get3A_446] {strides = array<i32>} : memref<16x128xf32, #tpu.memory_space<vmem>>, vector<16xf32>,
        %sub3A_448 = arith.constant 1.000000e+00 : f32
        %sub3A_449 = vector.broadcast %sub3A_448 : f32 to vector<16xf32>
        %sub3A_450 = arith.subf %sub3A_449, %get3A_447 : vector<16xf32>
        %get3A_451 = arith.index_cast %multiple_of3A : i32 to index
        %get3A_452 = tpu.vector_load %arg18[%get3A_451] {strides = array<i32>} : memref<2048xf32, #tpu.memory_space<vmem>>, vector<16xf32>,
        %get3A_453 = arith.index_cast %scan3A_381 : i32 to index
        %get3A_454 = arith.index_cast %multiple_of3A_444 : i32 to index
        %get3A_455 = tpu.vector_load %arg14[%get3A_453, %get3A_454] {strides = array<i32>} : memref<16x128xf32, #tpu.memory_space<vmem>>, vector<16xf32>,
        %sub3A_456 = arith.subf %get3A_452, %get3A_455 : vector<16xf32>
        %mul3A_457 = arith.mulf %sub3A_456, %sub3A_450 : vector<16xf32>
        %get3A_458 = arith.index_cast %multiple_of3A : i32 to index
        %get3A_459 = tpu.vector_load %arg19[%get3A_458] {strides = array<i32>} : memref<2048xf32, #tpu.memory_space<vmem>>, vector<16xf32>,
        %get3A_460 = arith.index_cast %scan3A_381 : i32 to index
        %get3A_461 = arith.index_cast %multiple_of3A_444 : i32 to index
        %get3A_462 = tpu.vector_load %arg15[%get3A_460, %get3A_461] {strides = array<i32>} : memref<16x128xf32, #tpu.memory_space<vmem>>, vector<16xf32>,
        %sub3A_463 = arith.subf %get3A_459, %get3A_462 : vector<16xf32>
        %mul3A_464 = arith.mulf %sub3A_463, %sub3A_450 : vector<16xf32>
        %get3A_465 = arith.index_cast %multiple_of3A : i32 to index
        %get3A_466 = tpu.vector_load %arg20[%get3A_465] {strides = array<i32>} : memref<2048xf32, #tpu.memory_space<vmem>>, vector<16xf32>,
        %get3A_467 = arith.index_cast %scan3A_381 : i32 to index
        %get3A_468 = arith.index_cast %multiple_of3A_444 : i32 to index
        %get3A_469 = tpu.vector_load %arg16[%get3A_467, %get3A_468] {strides = array<i32>} : memref<16x128xf32, #tpu.memory_space<vmem>>, vector<16xf32>,
        %sub3A_470 = arith.subf %get3A_466, %get3A_469 : vector<16xf32>
        %mul3A_471 = arith.mulf %sub3A_470, %sub3A_450 : vector<16xf32>
        %mul3A_472 = arith.mulf %mul3A_457, %mul3A_457 : vector<16xf32>
        %mul3A_473 = arith.mulf %mul3A_464, %mul3A_464 : vector<16xf32>
        %add3A_474 = arith.addf %mul3A_472, %mul3A_473 : vector<16xf32>
        %mul3A_475 = arith.mulf %mul3A_471, %mul3A_471 : vector<16xf32>
        %add3A_476 = arith.addf %add3A_474, %mul3A_475 : vector<16xf32>
        %add3A_477 = arith.addf %scan3A_436, %add3A_476 : vector<16xf32>
        scf.yield %add3A_477 : vector<16xf32>
      }
      %scan3A_434 = arith.constant 8 : i32
      scf.yield %scan3A_433 : vector<16xf32>
    }
    %scan3A_364 = arith.constant 16 : i32
    %swap3A_365 = arith.constant 0 : index
    %swap3A_366 = tpu.vector_load %arg21[%swap3A_365] {strides = array<i32>} : memref<128xf32, #tpu.memory_space<vmem>>, vector<16xf32>,
    tpu.vector_store %arg21[%swap3A_365], %scan3A_363 {strides = array<i32>} : memref<128xf32, #tpu.memory_space<vmem>>, vector<16xf32>,
    %swap3A_367 = arith.constant 16 : index
    %swap3A_368 = tpu.vector_load %arg21[%swap3A_367] {strides = array<i32>} : memref<128xf32, #tpu.memory_space<vmem>>, vector<16xf32>,
    tpu.vector_store %arg21[%swap3A_367], %broadcast_in_dim3A_39 {strides = array<i32>} : memref<128xf32, #tpu.memory_space<vmem>>, vector<16xf32>,
    %swap3A_369 = arith.constant 32 : index
    %swap3A_370 = tpu.vector_load %arg21[%swap3A_369] {strides = array<i32>} : memref<128xf32, #tpu.memory_space<vmem>>, vector<16xf32>,
    tpu.vector_store %arg21[%swap3A_369], %broadcast_in_dim3A_39 {strides = array<i32>} : memref<128xf32, #tpu.memory_space<vmem>>, vector<16xf32>,
    %swap3A_371 = arith.constant 48 : index
    %swap3A_372 = tpu.vector_load %arg21[%swap3A_371] {strides = array<i32>} : memref<128xf32, #tpu.memory_space<vmem>>, vector<16xf32>,
    tpu.vector_store %arg21[%swap3A_371], %broadcast_in_dim3A_39 {strides = array<i32>} : memref<128xf32, #tpu.memory_space<vmem>>, vector<16xf32>,
    %swap3A_373 = arith.constant 64 : index
    %swap3A_374 = tpu.vector_load %arg21[%swap3A_373] {strides = array<i32>} : memref<128xf32, #tpu.memory_space<vmem>>, vector<16xf32>,
    tpu.vector_store %arg21[%swap3A_373], %broadcast_in_dim3A_39 {strides = array<i32>} : memref<128xf32, #tpu.memory_space<vmem>>, vector<16xf32>,
    %swap3A_375 = arith.constant 80 : index
    %swap3A_376 = tpu.vector_load %arg21[%swap3A_375] {strides = array<i32>} : memref<128xf32, #tpu.memory_space<vmem>>, vector<16xf32>,
    tpu.vector_store %arg21[%swap3A_375], %broadcast_in_dim3A_39 {strides = array<i32>} : memref<128xf32, #tpu.memory_space<vmem>>, vector<16xf32>,
    %swap3A_377 = arith.constant 96 : index
    %swap3A_378 = tpu.vector_load %arg21[%swap3A_377] {strides = array<i32>} : memref<128xf32, #tpu.memory_space<vmem>>, vector<16xf32>,
    tpu.vector_store %arg21[%swap3A_377], %broadcast_in_dim3A_39 {strides = array<i32>} : memref<128xf32, #tpu.memory_space<vmem>>, vector<16xf32>,
    %swap3A_379 = arith.constant 112 : index
    %swap3A_380 = tpu.vector_load %arg21[%swap3A_379] {strides = array<i32>} : memref<128xf32, #tpu.memory_space<vmem>>, vector<16xf32>,
    tpu.vector_store %arg21[%swap3A_379], %broadcast_in_dim3A_39 {strides = array<i32>} : memref<128xf32, #tpu.memory_space<vmem>>, vector<16xf32>,
    "tpu.region"() ({
      %run_scoped3A_381 = tpu.sem_alloc : memref<!tpu.dma_semaphore, #tpu.memory_space<semaphore_mem>>
      %dma_start3A = arith.constant 0 : i32
      %dma_start3A_382 = tpu.memref_slice %arg6[%add3A, %dma_start3A] : memref<32x128xf32, #tpu.memory_space<hbm>> -> memref<1x128xf32, #tpu.memory_space<hbm>>
      %dma_start3A_383 = tpu.memref_squeeze %dma_start3A_382 : memref<1x128xf32, #tpu.memory_space<hbm>> -> memref<128xf32, #tpu.memory_space<hbm>>
      %dma_start3A_384 = arith.constant 0 : i32
      %dma_start3A_385 = tpu.memref_slice %arg6[%add3A, %dma_start3A_384] : memref<32x128xf32, #tpu.memory_space<hbm>> -> memref<1x128xf32, #tpu.memory_space<hbm>>
      %dma_start3A_386 = tpu.memref_squeeze %dma_start3A_385 : memref<1x128xf32, #tpu.memory_space<hbm>> -> memref<128xf32, #tpu.memory_space<hbm>>
      tpu.enqueue_dma source(%arg21 : memref<128xf32, #tpu.memory_space<vmem>>) target(%dma_start3A_386 : memref<128xf32, #tpu.memory_space<hbm>>) target_semaphore(%run_scoped3A_381 : memref<!tpu.dma_semaphore, #tpu.memory_space<semaphore_mem>>)
      %dma_wait3A = arith.constant 0 : i32
      %dma_wait3A_387 = tpu.memref_slice %arg6[%add3A, %dma_wait3A] : memref<32x128xf32, #tpu.memory_space<hbm>> -> memref<1x128xf32, #tpu.memory_space<hbm>>
      %dma_wait3A_388 = tpu.memref_squeeze %dma_wait3A_387 : memref<1x128xf32, #tpu.memory_space<hbm>> -> memref<128xf32, #tpu.memory_space<hbm>>
      %dma_wait3A_389 = arith.constant 0 : i32
      %dma_wait3A_390 = tpu.memref_slice %arg6[%add3A, %dma_wait3A_389] : memref<32x128xf32, #tpu.memory_space<hbm>> -> memref<1x128xf32, #tpu.memory_space<hbm>>
      %dma_wait3A_391 = tpu.memref_squeeze %dma_wait3A_390 : memref<1x128xf32, #tpu.memory_space<hbm>> -> memref<128xf32, #tpu.memory_space<hbm>>
      tpu.wait_dma2 semaphore(%run_scoped3A_381 : memref<!tpu.dma_semaphore, #tpu.memory_space<semaphore_mem>>) src(%arg21 : memref<128xf32, #tpu.memory_space<vmem>>) dst(%dma_wait3A_391 : memref<128xf32, #tpu.memory_space<hbm>>)
      tpu.yield
    }) : () -> ()
    return
  }
}

module attributes {stable_mosaic.version = 14 : i64} {
  func.func @_tc_reduce_body(%arg0: memref<32x128xf32, #tpu.memory_space<vmem>>, %arg1: memref<1x1xf32, #tpu.memory_space<smem>>) attributes {dimension_semantics = [], scalar_prefetch = 0 : i64, scratch_operands = 0 : i64, tpu.core_type = #tpu.core_type<tc>} {
    %get3A = arith.constant 0 : index
    %get3A_0 = arith.constant 0 : index
    %get3A_1 = vector.load %arg0[%get3A, %get3A_0] : memref<32x128xf32, #tpu.memory_space<vmem>>, vector<32x128xf32>
    %reduce_sum3A = vector.shape_cast %get3A_1 : vector<32x128xf32> to vector<1x32x128xf32>
    %reduce_sum3A_2 = arith.constant dense<0.000000e+00> : vector<1xf32>
    %reduce_sum3A_3 = vector.multi_reduction <add>, %reduce_sum3A, %reduce_sum3A_2 [1, 2] : vector<1x32x128xf32> to vector<1xf32>
    %reduce_sum3A_4 = vector.shape_cast %reduce_sum3A_3 : vector<1xf32> to vector<1x1x1xf32>
    %reduce_sum3A_5 = vector.extract %reduce_sum3A_4[0, 0, 0] : f32 from vector<1x1x1xf32>
    %mul3A = arith.constant 1.52587891E-5 : f32
    %mul3A_6 = arith.mulf %reduce_sum3A_5, %mul3A : f32
    %swap3A = arith.constant 0 : index
    %swap3A_7 = arith.constant 0 : index
    %swap3A_8 = memref.load %arg1[%swap3A, %swap3A_7] : memref<1x1xf32, #tpu.memory_space<smem>>
    memref.store %mul3A_6, %arg1[%swap3A, %swap3A_7] : memref<1x1xf32, #tpu.memory_space<smem>>
    return
  }
}

</mosaic_0001>

<sc_bundles>
// kernel: kernel.4.cloned.1.call-start
scs
__scs_entry_jumppad:
0x0: {  	(pc) =	sbr.rel $0x88, $3  }
0x1: {  	(tag) =	ssettag $0x0;
	lr =	simm.s32 $0x1  }
0x2: {  	[smem:$0x3F9D] =	sst lr;
	_ =	strace $0xD0000000  }
0x3: {  	_ = 	snop  }
0x4: {  	_ = 	snop  }
0x5: {  	_ = 	snop  }
0x6: {  	_ = 	snop  }
0x7: {  	_ = 	snop  }
__scs_overlays_trampoline_lowered:
0x8: {  	[smem:$0x3FAC] =	sst s0  }
0x9: {  	[smem:$0x3FAD] =	sst s1  }
0xa: {  	[smem:$0x3FAE] =	sst s2  }
0xb: {  	[smem:$0x3FAF] =	sst s3  }
0xc: {  	[smem:$0x3FB0] =	sst s4  }
0xd: {  	[smem:$0x3FB1] =	sst s5  }
0xe: {  	[smem:$0x3FB2] =	sst s6  }
0xf: {  	[smem:$0x3FB3] =	sst s7  }
0x10: {  	[smem:$0x3FB4] =	sst s8  }
0x11: {  	[smem:$0x3FB5] =	sst s9;
	s0 =	simm.s32 @!p0 $0x0  }
0x12: {  	s1 =	sld [smem:$0x3F9B];
	s0 =	simm.s32 @p0 $0x1  }
0x13: {  	[smem:$0x3FB6] =	sst s0;
	s0 =	simm.s32 @!p1 $0x0  }
0x14: {  	s2 =	sld [smem:$0x3F9A];
	s0 =	simm.s32 @p1 $0x1  }
0x15: {  	[smem:$0x3FB7] =	sst s0;
	s0 =	simm.s32 @!p2 $0x0  }
0x16: {  	s3 =	sld [smem:$0x3FDB];
	s0 =	simm.s32 @p2 $0x1  }
0x17: {  	s4 =	simm.s32 $0x1BF5;
	[smem:$0x3FB9] =	sst s0  }
0x18: {  	s0 =	sld [smem:$0x3F9C];
	_ =	swait.ge [sflag:s4], $0x0  }
0x19: {  	s7 =	sld [smem:$0x3F9D]  }
0x1a: {  	s8 =	sadd.s32 $0xFFFFE003, lr  }
0x1b: {  	s9 =	sadd.s32 $0xFFFFFEF7, lr;
	s5 =	simm.s32 $0xFFFFFFFF;
	p2 =	slt.u32 s8, $0xFFFFF086  }
0x1c: {  	p1 =	slt.u32 s9, $0xF7A;
	s5 =	simm.s32 @!p2 $0x0  }
0x1d: {  	s5 =	simm.s32 @p1 $0x1;
	p0 =	seq.s32 s7, s2  }
0x1e: {  	s7 =	smul.u32 @!p0 $0xF7A, s2;
	p2 =	seq.s32 @!p0 s5, $0x0  }
0x1f: {  	s9 =	smul.u32 $0xF7A, s1;
	s8 =	simm.s32 @!p0 $0x1BF5;
	p2 =	por !p2, p0  }
0x20: {  	[sflag:s8] =	ssyncset.s32 @!p0 $0xFFFFF086;
	s6 =	sadd.s32 @!p0 s3, s7;
	s7 =	simm.s32 @!p0 $0x108  }
0x21: {  	s3 =	sadd.s32 s3, s9;
	s6 =	sadd.s32 @!p0 $0x88, s6;
	s7 =	simm.s32 @p2 $0x1082  }
0x22: {  	[simem:s7], [sflag:s8] =	dma.local @!p0 [hbm:s6], $0xF7A  }
0x23: {  	s9 =	sor.u32 $0xD0000000, s2;
	s6 =	simm.s32 $0x108;
	_ =	swait.ge @!p0 [sflag:s8], $0x0  }
0x24: {  	s3 =	sadd.s32 $0x88, s3;
	s6 =	simm.s32 @!p1 $0x1082;
	[sflag:s4] =	ssyncset.s32 $0xFFFFF086  }
0x25: {  	[simem:s6], [sflag:s4] =	dma.local [hbm:s3], $0xF7A  }
0x26: {  	[smem:$0x3F9D] =	sst s1;
	(tag) =	ssettag s2;
	_ =	strace s9  }
0x27: {  	s1 =	sld [smem:$0x3FAD]  }
0x28: {  	s2 =	sld [smem:$0x3FAE]  }
0x29: {  	s4 =	sld [smem:$0x3FB0]  }
0x2a: {  	p0 =	seq.s32 s5, $0x0;
	s5 =	sld [smem:$0x3FB1]  }
0x2b: {  	s6 =	sld [smem:$0x3FB2]  }
0x2c: {  	s7 =	sld [smem:$0x3FB3]  }
0x2d: {  	s3 =	simm.s32 $0x108;
	s8 =	sld [smem:$0x3FB4]  }
0x2e: {  	s3 =	simm.s32 @!p0 $0x1082;
	s9 =	sld [smem:$0x3FB5]  }
0x2f: {  	lr =	sadd.s32 s0, s3;
	s0 =	sld [smem:$0x3FAC]  }
0x30: {  	s3 =	sld [smem:$0x3FAF]  }
0x31: {  	[smem:$0x3FB8] =	sst s10  }
0x32: {  	s10 =	sld [smem:$0x3FB6];
	_ =	sdelay $0x3  }
0x33: {  	p0 =	seq.s32 s10, $0x1;
	s10 =	sld [smem:$0x3FB8];
	_ =	sdelay $0x3  }
0x34: {  	[smem:$0x3FB8] =	sst s10  }
0x35: {  	s10 =	sld [smem:$0x3FB7];
	_ =	sdelay $0x3  }
0x36: {  	p1 =	seq.s32 s10, $0x1;
	s10 =	sld [smem:$0x3FB8];
	_ =	sdelay $0x3  }
0x37: {  	[smem:$0x3FB8] =	sst s10  }
0x38: {  	s10 =	sld [smem:$0x3FB9]  }
0x39: {  	_ = 	snop;
	(pc) =	sbr.ind lr, $3  }
0x3a: {  	_ = 	snop  }
0x3b: {  	_ = 	snop  }
0x3c: {  	p2 =	seq.s32 s10, $0x1;
	s10 =	sld [smem:$0x3FB8]  }
0x3d: {  	_ =	shalt  }
0x3e: {  	_ =	shalt  }
0x3f: {  	_ =	shalt  }
0x40: {  	_ =	shalt  }
0x41: {  	_ =	shalt  }
0x42: {  	_ =	shalt  }
0x43: {  	_ =	shalt  }
0x44: {  	_ =	shalt  }
0x45: {  	_ =	shalt  }
0x46: {  	_ =	shalt  }
0x47: {  	_ =	shalt  }
0x48: {  	_ =	shalt  }
0x49: {  	_ =	shalt  }
0x4a: {  	_ =	shalt  }
0x4b: {  	_ =	shalt  }
0x4c: {  	_ =	shalt  }
0x4d: {  	_ =	shalt  }
0x4e: {  	_ =	shalt  }
0x4f: {  	_ =	shalt  }
0x50: {  	_ =	shalt  }
0x51: {  	_ =	shalt  }
0x52: {  	_ =	shalt  }
0x53: {  	_ =	shalt  }
0x54: {  	_ =	shalt  }
0x55: {  	_ =	shalt  }
0x56: {  	_ =	shalt  }
0x57: {  	_ =	shalt  }
0x58: {  	_ =	shalt  }
0x59: {  	_ =	shalt  }
0x5a: {  	_ =	shalt  }
0x5b: {  	_ =	shalt  }
0x5c: {  	_ =	shalt  }
0x5d: {  	_ =	shalt  }
0x5e: {  	_ =	shalt  }
0x5f: {  	_ =	shalt  }
0x60: {  	_ =	shalt  }
0x61: {  	_ =	shalt  }
0x62: {  	_ =	shalt  }
0x63: {  	_ =	shalt  }
0x64: {  	_ =	shalt  }
0x65: {  	_ =	shalt  }
0x66: {  	_ =	shalt  }
0x67: {  	_ =	shalt  }
0x68: {  	_ =	shalt  }
0x69: {  	_ =	shalt  }
0x6a: {  	_ =	shalt  }
0x6b: {  	_ =	shalt  }
0x6c: {  	_ =	shalt  }
0x6d: {  	_ =	shalt  }
0x6e: {  	_ =	shalt  }
0x6f: {  	_ =	shalt  }
0x70: {  	_ =	shalt  }
0x71: {  	_ =	shalt  }
0x72: {  	_ =	shalt  }
0x73: {  	_ =	shalt  }
0x74: {  	_ =	shalt  }
0x75: {  	_ =	shalt  }
0x76: {  	_ =	shalt  }
0x77: {  	_ =	shalt  }
0x78: {  	_ =	shalt  }
0x79: {  	_ =	shalt  }
0x7a: {  	_ =	shalt  }
0x7b: {  	_ =	shalt  }
0x7c: {  	_ =	shalt  }
0x7d: {  	_ =	shalt  }
0x7e: {  	_ =	shalt  }
0x7f: {  	_ =	shalt  }
0x80: {  	_ =	shalt  }
0x81: {  	_ =	shalt  }
0x82: {  	_ =	shalt  }
0x83: {  	_ =	shalt  }
0x84: {  	_ =	shalt  }
0x85: {  	_ =	shalt  }
0x86: {  	_ =	shalt  }
0x87: {  	_ =	shalt  }
.Lfunc_end0:
.L_simem_size_0:
called_computation_lowered:
.L_overlay_start_0:
0x88: {  	s2 =	sld [smem:$0x3FD9]  }
0x89: {  	s3 =	sld [smem:$0x3FFE];
	_ =	sdelay $0x1  }
0x8a: {  	s1 =	srdreg.scid  }
0x8b: {  	s0 =	sand.u32 $0x1, s1  }
0x8c: {  	s16 =	sshll.u32 s0, $0xA;
	s2 =	sadd.s32 s3, s2  }
0x8d: {  	s2 =	sadd.s32 s2, s16  }
0x8e: {  	[smem:$0x3FC4] =	sst s2  }
0x8f: {  	_ = 	snop  }
0x90: {  	(tm) =	ssettm $0x1  }
0x91: {  	s17 =	sld [smem:$0x3FFB];
	_ =	sdelay $0x3  }
0x92: {  	_ =	strace s17  }
0x93: {  	s2 =	sld [smem:$0x3FFC];
	_ =	sdelay $0x3  }
0x94: {  	_ =	strace s2  }
0x95: {  	s2 =	sld [smem:$0x3FFD];
	_ =	sdelay $0x3  }
0x96: {  	_ =	strace s2  }
0x97: {  	_ =	strace $0x8FFFFFFF  }
0x98: {  	s18 =	sld [smem:$0x3FDB];
	_ =	sdelay $0x1  }
0x99: {  	s19 =	simm.s32 $_scs_section_size  }
0x9a: {  	s4 =	simm.s32 $_size__tile_overlayer_lowered;
	s5 =	simm.s32 $_tile_overlayer_lowered  }
0x9b: {  	s22 =	simm.s32 $0x1BFF;
	s21 =	sshll.u32 s5, $0x1;
	s2 =	sadd.s32 s19, s18  }
0x9c: {  	s6 =	simm.s32 $0x0;
	s20 =	sshll.u32 s4, $0x1;
	s4 =	sadd.s32 s21, s2  }
0x9d: {  	[timem:s6], [sflag:s22] =	dma.local [hbm:s4], s20  }
0x9e: {  	_ =	swait.ge [sflag:s22], s20  }
0x9f: {  	s3 =	ssub.s32 $0x0, s20;
	[sflag:s22] =	ssyncset.done $0x0  }
0xa0: {  	[sflag:s22] =	ssyncadd.s32 s3;
	_ =	sdelay $0x1  }
0xa1: {  	s23 =	simm.s32 $0x1B8B  }
0xa2: {  	_ =	swait.ge [sflag:s23], $0x1  }
0xa3: {  	[sflag:s23] =	ssyncset.done $0x0  }
0xa4: {  	s25 =	simm.s32 $0x1B8E;
	s24 =	sld [smem:$0x3FFE];
	[sflag:s23] =	ssyncadd.s32 $0xFFFFFFFF  }
0xa5: {  	s26 =	simm.s32 $execute0_lowered;
	[smem:$0x3FD2] =	sst s25  }
0xa6: {  	s4 =	sshll.u32 s26, $0x1;
	_ =	strace $0x80000046;
	[dreg:$0x1] =	wrdreg $0xFFFFFFFF  }
0xa7: {  	s28 =	simm.s32 $_size_execute0_lowered;
	s2 =	sadd.s32 s2, s4;
	[dreg:$0x0] =	wrdreg $0x0  }
0xa8: {  	s4 =	sshll.u32 s28, $0x1;
	[dreg:$0x2] =	wrdreg s2  }
0xa9: {  	[dreg:$0x3] =	wrdreg s4  }
0xaa: {  	[dreg:$0x4] =	wrdreg $0xC0  }
0xab: {  	_ =	task [dreg:s6], $0x5FFFF  }
0xac: {  	[dreg:$0x1] =	wrdreg $0xFFFFFFFF  }
0xad: {  	[dreg:$0x0] =	wrdreg $0x60  }
0xae: {  	[dreg:$0x2] =	wrdreg s24  }
0xaf: {  	[dreg:$0x3] =	wrdreg $0x59F00  }
0xb0: {  	[dreg:$0x4] =	wrdreg $0x9  }
0xb1: {  	_ =	task.clear_ibuf [dreg:s6], $0x5FFFF;
	_ =	strace $0x90000046  }
0xb2: {  	s29 =	simm.s32 $0x9;
	_ =	strace $0x80000048  }
0xb3: {  	_ =	swait.ge [sflag:s29], $0x1  }
0xb4: {  	[sflag:s29] =	ssyncadd.s32 $0xFFFFFFFF  }
0xb5: {  	_ =	strace $0x90000048  }
0xb6: {  	_ =	sfence  }
0xb7: {  	s30 =	sld [smem:$0x0];
	_ =	sdelay $0x2  }
0xb8: {  	s31 =	sshll.u32 s1, $0xD;
	s1 =	sshrl.u32 s1, $0x2  }
0xb9: {  	s3 =	sand.u32 $0x4000, s31;
	s1 =	sadd.s32 s1, s30  }
0xba: {  	s0 =	sor.u32 s3, s0;
	s1 =	sshll.u32 s1, $0x11  }
0xbb: {  	s0 =	sor.u32 s1, s0  }
0xbc: {  	s0 =	sadd.s32 $0x8F2B, s0  }
0xbd: {  	[sflag:s0] =	ssyncadd.remote.s32 $0x1  }
0xbe: {  	_ =	sfence.sel $0xFFFF  }
0xbf: {  	[dreg:$0x0] =	wrdreg $0xFFFFFFFF;
	(pc) =	sbr.abs _section_cstart, $3  }
0xc0: {  	[dreg:$0x1] =	wrdreg $0xFFFFFFFF  }
0xc1: {  	_ =	task.clear_ibuf [dreg:s6], $0x2FFFF;
	_ =	strace $0x9FFFFFFF  }
0xc2: {  	(tm) =	ssettm $0x7FFFFFFF  }
0xc3: {  	_ =	shalt  }
tec
execute0_lowered:
.L_overlay_start_1:
0x0: {  	(tag) =	ssettag $0x1  }
0x1: {  	s0 =	srdreg.scid;
	s4 =	rddreg [dreg:$0x0]  }
0x2: {  	s12 =	stileid.u32;
	s6 =	rddreg [dreg:$0x1]  }
0x3: {  	s2 =	simm.s32 $0x0;
	s3 =	simm.s32 $0x1;
	s19 =	simm.s32 $0x2  }
0x4: {  	s28 =	simm.s32 $0x0;
	s0 =	sand.u32 $0x1, s0;
	s5 =	sand.u32 $0x3, s12  }
0x5: {  	[smem:$0x7FF] =	sst s2;
	s8 =	sadd.s32 $0xA00, s4;
	s15 =	sadd.s32 $0xEA00, s4  }
0x6: {  	s1 =	sshll.u32 s0, $0x4;
	p1 =	sne.s32 s5, $0x0;
	_ =	strace $0x80000047  }
0x7: {  	s0 =	ssub.s32 $0x2, s0;
	s11 =	sshll.u32 s5, $0xB;
	s1 =	sor.u32 s12, s1  }
0x8: {  	s29 =	sshll.u32 s5, $0x6;
	s21 =	sshrl.u32 s0, $0x1;
	p0 =	seq.s32 s1, $0x0  }
0x9: {  	s12 =	smul.u32 $0xC0, s12;
	s7 =	sshrl.u32 s1, $0x2;
	p0 =	por !p1, !p0  }
0xa: {  	s1 =	sshll.u32 s1, $0x4;
	s0 =	ssub.s32 s0, s21;
	p0 =	por !p0, !p0  }
0xb: {  	s1 =	sadd.s32 s1, s4;
	s25 =	sshrl.u32 s12, $0x2;
	s3 =	simm.s32 @!p0 $0x0  }
0xc: {  	s18 =	smax.u32 s0, $0x1;
	s17 =	sadd.s32 $0x26A00, s1;
	s7 =	ssub.s32 s7, s3  }
0xd: {  	s3 =	simm.s32 $0x1;
	s13 =	sshll.u32 s7, $0xF;
	s9 =	sshll.u32 s7, $0x3  }
0xe: {  	s10 =	sshll.u32 s7, $0xD;
	s7 =	sshll.u32 s7, $0x2;
	s14 =	sshrl.u32 s13, $0x3  }
0xf: {  	s9 =	sand.u32 $0x1FFFFFF8, s9;
	s10 =	sor.u32 s11, s10;
	s7 =	sand.u32 $0xC, s7  }
0x10: {  	s30 =	sadd.s32 $0x40000, s13;
	s31 =	sadd.s32 $0x80000, s13;
	s16 =	sadd.s32 s14, s4  }
0x11: {  	s9 =	sadd.s32 s9, s4;
	s22 =	sshrl.u32 s10, $0x3;
	s11 =	sadd.s32 $0x10000, s10  }
0x12: {  	s10 =	sadd.s32 $0x20000, s10;
	s7 =	smul.u32 $0xC0, s7;
	s5 =	sshrl.u32 s30, $0x3  }
0x13: {  	s13 =	sadd.s32 s15, s14;
	s11 =	sshrl.u32 s11, $0x3;
	s4 =	sadd.s32 s8, s22  }
0x14: {  	v0 =	vlaneseq.u32;
	s24 =	sshrl.u32 s10, $0x3;
	s26 =	sadd.s32 $0x800, s9;
	s14 =	sadd.s32 s15, s5  }
0x15: {  	v3 =	vmul.u32 $0x4, v0;
	s16 =	sadd.s32 $0x6A00, s16;
	s22 =	simm.s32 $0x1800;
	[dreg:$0x3] =	wrdreg s4  }
0x16: {  	v15 =	vimm.s32 $0x0;
	v17 =	vimm.f32 $0.0e+00;
	v0 =	vmul.u32 $0x10, v0;
	s23 =	sadd.s32 s8, s11;
	s4 =	sadd.s32 s8, s24;
	[dreg:$0x6] =	wrdreg s26  }
0x17: {  	v1 =	vor.u32 $0x1, v3;
	v2 =	vor.u32 $0x2, v3;
	v3 =	vor.u32 $0x3, v3;
	s7 =	sshrl.u32 s7, $0x2;
	s24 =	simm.s32 $0x1840;
	[dreg:$0x4] =	wrdreg s23  }
0x18: {  	v4 =	vor.u32 $0x1, v0;
	v5 =	vor.u32 $0x2, v0;
	v6 =	vor.u32 $0x3, v0;
	[dreg:$0x5] =	wrdreg s4;
	s4 =	sadd.s32 s25, s6;
	s9 =	sadd.s32 s7, s6  }
0x19: {  	v7 =	vor.u32 $0x4, v0;
	v8 =	vor.u32 $0x5, v0;
	v9 =	vor.u32 $0x6, v0;
	s6 =	sshrl.u32 s31, $0x3;
	s23 =	simm.s32 $0x1940;
	s25 =	simm.s32 $0x80  }
0x1a: {  	v10 =	vor.u32 $0x7, v0;
	v11 =	vor.u32 $0x8, v0;
	v12 =	vor.u32 $0x9, v0;
	[dreg:$0x7] =	wrdreg s4;
	s10 =	sadd.s32 $0x30, s9;
	s4 =	sadd.s32 $0x1840, s29  }
0x1b: {  	v13 =	vor.u32 $0xA, v0;
	v14 =	vor.u32 $0xB, v0;
	s11 =	sadd.s32 $0x60, s9;
	s12 =	sadd.s32 $0x90, s9;
	s15 =	sadd.s32 s15, s6;
	v16 =	vmov s4  }
.LBB2_1:
0x1c: {  	s0 =	rddreg [dreg:$0x3]  }
0x1d: {  	[tilespmem:s2], [sflag:$0x2] =	stream.linear.gather [hbm4b:s0+s2], $0x800, $0x38;
	[tilespmem:$0x5A20] =	vst v63  }
0x1e: {  	_ =	swait.ge [sflag:s19], $0x800  }
0x1f: {  	[sflag:s19] =	ssyncset.done $0x0  }
0x20: {  	s1 =	simm.s32 $0x800;
	s21 =	rddreg [dreg:$0x4];
	[sflag:s19] =	ssyncadd.s32 $0xFFFFF800  }
0x21: {  	[tilespmem:s1], [sflag:$0x2] =	stream.linear.gather [hbm4b:s21+s2], $0x800, $0x38;
	[tilespmem:$0x5A20] =	vst v63  }
0x22: {  	_ =	swait.ge [sflag:s19], $0x800  }
0x23: {  	[sflag:s19] =	ssyncset.done $0x0  }
0x24: {  	s29 =	simm.s32 $0x1000;
	s26 =	rddreg [dreg:$0x5];
	[sflag:s19] =	ssyncadd.s32 $0xFFFFF800  }
0x25: {  	[tilespmem:s29], [sflag:$0x2] =	stream.linear.gather [hbm4b:s26+s2], $0x800, $0x38;
	[tilespmem:$0x5A20] =	vst v63  }
0x26: {  	_ =	swait.ge [sflag:s19], $0x800  }
0x27: {  	[sflag:s19] =	ssyncset.done $0x0  }
0x28: {  	s30 =	rddreg [dreg:$0x6];
	[sflag:s19] =	ssyncadd.s32 $0xFFFFF800  }
0x29: {  	[tilespmem:s22], [sflag:$0x2] =	stream.linear.gather [hbm4b:s30+s2], $0x40, $0x38;
	[tilespmem:$0x5A20] =	vst v63  }
0x2a: {  	_ =	swait.ge [sflag:s19], $0x40  }
0x2b: {  	[sflag:s19] =	ssyncset.done $0x0  }
0x2c: {  	s31 =	simm.s32 $0x0;
	[sflag:s19] =	ssyncadd.s32 $0xFFFFFFC0  }
0x2d: {  	v18 =	vld [tilespmem:s31+$0x1000]  }
0x2e: {  	v20 =	vld [tilespmem:s31+$0x0]  }
0x2f: {  	v19 =	vimm.f32 $0.0e+00;
	v22 =	vimm.f32 $0.0e+00;
	v23 =	vimm.f32 $0.0e+00;
	s0 =	simm.s32 $0x40;
	v21 =	vld [tilespmem:s31+$0x800]  }
.LBB2_2:
0x30: {  	p0 =	sne.s32 s0, $0x1FC0  }
.Ltmp0:
0x31: {  	_ = 	snop;
	(pc) =	sbr.rel @p0 .LBB2_2-.Ltmp0, $4  }
0x32: {  	s1 =	sshra.s32 s0, $0x2  }
0x33: {  	v19 =	vadd.f32 v18, v19;
	v18 =	vld [tilespmem:s1+$0x1000]  }
0x34: {  	v22 =	vadd.f32 v20, v22;
	v20 =	vld [tilespmem:s1+$0x0]  }
0x35: {  	s0 =	sadd.s32 $0x40, s0;
	v23 =	vadd.f32 v21, v23;
	v21 =	vld [tilespmem:s1+$0x800]  }
0x36: {  	_ =	sdelay $0x1  }
0x37: {  	v18 =	vadd.f32 v18, v19  }
0x38: {  	v20 =	vadd.f32 v20, v22  }
0x39: {  	v21 =	vadd.f32 v21, v23;
	[tilespmem:$0x1960] =	vst v18  }
0x3a: {  	[tilespmem:$0x1940] =	vst v20  }
0x3b: {  	s0 =	rddreg [dreg:$0x7];
	[tilespmem:$0x1950] =	vst v21  }
0x3c: {  	[spmem:s0] =	stream.linear.scatter [tilespmem:s23], [sflag:$0x2], $0x30, $0x38;
	[tilespmem:$0x5A20] =	vst v63  }
0x3d: {  	_ =	swait.ge [sflag:s19], $0x30  }
0x3e: {  	[sflag:s19] =	ssyncset.done $0x0  }
0x3f: {  	[sflag:s19] =	ssyncadd.s32 $0xFFFFFFD0  }
0x40: {  	[bflag:$0x0] =	sbarrier.arrive $0xFFFF  }
0x41: {  	[tilespmem:s23], [sflag:$0x2] =	stream.linear.gather [spmem:s9], $0x30, $0x38;
	[tilespmem:$0x5A20] =	vst v63  }
0x42: {  	_ =	swait.ge [sflag:s19], $0x30  }
0x43: {  	[sflag:s19] =	ssyncset.done $0x0  }
0x44: {  	[sflag:s19] =	ssyncadd.s32 $0xFFFFFFD0  }
0x45: {  	v18 =	vld [tilespmem:$0x1940]  }
0x46: {  	v19 =	vld [tilespmem:$0x1950]  }
0x47: {  	v56 =	vld [tilespmem:$0x1960];
	[tilespmem:s23], [sflag:$0x2] =	stream.linear.gather [spmem:s10], $0x30, $0x38  }
0x48: {  	_ =	swait.ge [sflag:s19], $0x30  }
0x49: {  	[sflag:s19] =	ssyncset.done $0x0  }
0x4a: {  	[sflag:s19] =	ssyncadd.s32 $0xFFFFFFD0  }
0x4b: {  	v57 =	vld [tilespmem:$0x1940]  }
0x4c: {  	v58 =	vld [tilespmem:$0x1950]  }
0x4d: {  	v59 =	vld [tilespmem:$0x1960];
	[tilespmem:s23], [sflag:$0x2] =	stream.linear.gather [spmem:s11], $0x30, $0x38  }
0x4e: {  	_ =	swait.ge [sflag:s19], $0x30  }
0x4f: {  	[sflag:s19] =	ssyncset.done $0x0  }
0x50: {  	[sflag:s19] =	ssyncadd.s32 $0xFFFFFFD0  }
0x51: {  	v24 =	vld [tilespmem:$0x1940]  }
0x52: {  	v25 =	vld [tilespmem:$0x1950]  }
0x53: {  	v26 =	vld [tilespmem:$0x1960];
	[tilespmem:s23], [sflag:$0x2] =	stream.linear.gather [spmem:s12], $0x30, $0x38  }
0x54: {  	_ =	swait.ge [sflag:s19], $0x30  }
0x55: {  	[sflag:s19] =	ssyncset.done $0x0  }
0x56: {  	[sflag:s19] =	ssyncadd.s32 $0xFFFFFFD0  }
0x57: {  	v27 =	vld.idx.msk [tilespmem:v1+s22+$0x0], $0xffff  }
0x58: {  	v28 =	vld.idx.msk [tilespmem:v2+s22+$0x0], $0xffff;
	_ =	sdelay $0x1  }
0x59: {  	v29 =	vld.idx.msk [tilespmem:v3+s22+$0x0], $0xffff;
	_ =	sdelay $0x2  }
0x5a: {  	v30 =	vmul.f32 v27, v27;
	v31 =	vmul.f32 v28, v28;
	_ =	sdelay $0x1  }
0x5b: {  	v60 =	vmul.f32 v29, v29;
	v30 =	vadd.f32 v31, v30;
	_ =	sdelay $0x1  }
0x5c: {  	v30 =	vadd.f32 v60, v30;
	_ =	sdelay $0x1  }
0x5d: {  	v31 =	vshra.s32 v30, $0x1;
	v30 =	vmul.f32 $5.000000000e-01, v30  }
0x5e: {  	v31 =	vsub.s32 $0x5F3759DF, v31  }
0x5f: {  	v32 =	vmul.f32 v31, v30;
	_ =	sdelay $0x1  }
0x60: {  	v32 =	vmul.f32 v31, v32;
	_ =	sdelay $0x1  }
0x61: {  	v32 =	vsub.f32 $1.500000000e+00, v32;
	_ =	sdelay $0x1  }
0x62: {  	v31 =	vmul.f32 v31, v32;
	_ =	sdelay $0x1  }
0x63: {  	v33 =	vmul.f32 v31, v30;
	_ =	sdelay $0x1  }
0x64: {  	v61 =	vld [tilespmem:$0x1940];
	v33 =	vmul.f32 v33, v31  }
0x65: {  	v34 =	vld [tilespmem:$0x1950]  }
0x66: {  	v33 =	vsub.f32 $1.500000000e+00, v33  }
0x67: {  	v35 =	vld [tilespmem:$0x1960]  }
0x68: {  	v63 =	vmul.f32 v33, v31  }
0x69: {  	v18 =	vadd.f32 v57, v18;
	v62 =	vadd.f32 v61, v24  }
0x6a: {  	v19 =	vadd.f32 v58, v19;
	v31 =	vadd.f32 v34, v25;
	v32 =	vmul.f32 v63, v30  }
0x6b: {  	v20 =	vadd.f32 v59, v56;
	v18 =	vadd.f32 v62, v18  }
0x6c: {  	v33 =	vadd.f32 v35, v26;
	v19 =	vadd.f32 v31, v19;
	v34 =	vmul.f32 v32, v63  }
0x6d: {  	(xrf2) =	vadd.scan.msk.f32 $0xffff, v18  }
0x6e: {  	v18 =	vadd.f32 v33, v20;
	(xrf2) =	vadd.scan.msk.f32 $0xffff, v19;
	v19 =	vsub.f32 $1.500000000e+00, v34;
	_ =	sdelay $0x1  }
0x6f: {  	(xrf2) =	vadd.scan.msk.f32 $0xffff, v18;
	v18 =	vmul.f32 v19, v63;
	_ =	sdelay $0x1  }
0x70: {  	v19 =	vmul.f32 v18, v30;
	_ =	sdelay $0x1  }
0x71: {  	v19 =	vmul.f32 v19, v18;
	_ =	sdelay $0x1  }
0x72: {  	v19 =	vsub.f32 $1.500000000e+00, v19  }
0x73: {  	v35, _, _ =	vpop (xrf2)  }
0x74: {  	(v2sf) =	vpush v35, $0xF;
	v36, _, _ =	vpop (xrf2);
	v18 =	vmul.f32 v19, v18  }
0x75: {  	(v2sf) =	vpush v36, $0xF  }
0x76: {  	v19, _, _ =	vpop (xrf2);
	v37 =	vmul.f32 v18, v28  }
0x77: {  	(v2sf) =	vpush v19, $0xF;
	v19 =	vmul.f32 v18, v27  }
0x78: {  	v18 =	vmul.f32 v18, v29;
	v20 =	vmul.f32 $7.070000170e-01, v37  }
0x79: {  	v19 =	vmul.f32 $7.070000170e-01, v19  }
0x7a: {  	v18 =	vmul.f32 $7.070000170e-01, v18;
	v46 =	vmul.f32 $7.070000170e-01, v20  }
0x7b: {  	v38 =	vmul.f32 v19, v19;
	v41 =	vmul.f32 v20, v19  }
0x7c: {  	v42 =	vmul.f32 $7.070000170e-01, v18;
	v43 =	vmul.f32 v18, v18  }
0x7d: {  	v45 =	vmul.f32 v18, v19;
	v18 =	vmul.f32 v18, v20  }
0x7e: {  	v19 =	vmul.f32 $7.070000170e-01, v19;
	v40 =	vadd.f32 $4.998490210e-01, v38;
	v44 =	vsub.f32 v41, v42  }
0x7f: {  	v47 =	vadd.f32 v46, v45;
	v21 =	vsub.f32 $4.998490210e-01, v38  }
0x80: {  	v39 =	vmul.f32 v20, v20;
	v24 =	vadd.f32 v42, v41;
	v50 =	vsub.f32 v18, v19  }
0x81: {  	v28 =	vsub.f32 v45, v46;
	v18 =	vadd.f32 v19, v18  }
0x82: {  	v23 =	vsub.f32 v40, v39;
	v27 =	vadd.f32 v44, v44  }
0x83: {  	s26 =	spop (v2sf);
	v48 =	vadd.f32 v47, v47;
	v49 =	vadd.f32 v21, v39  }
0x84: {  	s0 =	smul.f32 $1.220703130e-04, s26;
	v24 =	vadd.f32 v24, v24;
	v23 =	vsub.f32 v23, v43;
	s1 =	spop (v2sf)  }
0x85: {  	v51 =	vadd.f32 v50, v50;
	v19 =	vadd.f32 v28, v28;
	s1 =	smul.f32 $1.220703130e-04, s1  }
0x86: {  	v21 =	vsub.f32 v21, v39;
	v25 =	vsub.f32 v49, v43;
	v55 =	vmul.f32 s0, v24;
	[tilespmem:v0+s24+$0x0] =	vst.idx.msk $0xffff, v23;
	s4 =	spop (v2sf)  }
0x87: {  	v18 =	vadd.f32 v18, v18;
	v52 =	vmul.f32 s0, v23;
	[tilespmem:v4+s24+$0x0] =	vst.idx.msk $0xffff, v27;
	v53 =	vmul.f32 s1, v27;
	s4 =	smul.f32 $1.220703130e-04, s4  }
0x88: {  	v21 =	vadd.f32 v21, v43;
	v58 =	vmul.f32 s0, v19;
	v56 =	vmul.f32 s1, v25;
	[tilespmem:v5+s24+$0x0] =	vst.idx.msk $0xffff, v48  }
0x89: {  	v59 =	vmul.f32 s1, v18;
	[tilespmem:v6+s24+$0x0] =	vst.idx.msk $0xffff, v24;
	v57 =	vadd.f32 v52, v53;
	v54 =	vmul.f32 s4, v48  }
0x8a: {  	v60 =	vadd.f32 v56, v55;
	[tilespmem:v7+s24+$0x0] =	vst.idx.msk $0xffff, v25;
	v61 =	vmul.f32 s4, v51  }
0x8b: {  	v22 =	vadd.f32 v59, v58;
	[tilespmem:v8+s24+$0x0] =	vst.idx.msk $0xffff, v51;
	v62 =	vmul.f32 s4, v21;
	v20 =	vadd.f32 v57, v54  }
0x8c: {  	[tilespmem:v9+s24+$0x0] =	vst.idx.msk $0xffff, v19;
	v24 =	vadd.f32 v60, v61  }
0x8d: {  	[tilespmem:v10+s24+$0x0] =	vst.idx.msk $0xffff, v18;
	v63 =	vadd.f32 v62, v22;
	v19 =	vsub.f32 $0.0e+00, v20  }
0x8e: {  	[tilespmem:v11+s24+$0x0] =	vst.idx.msk $0xffff, v21;
	v18 =	vsub.f32 $0.0e+00, v24  }
0x8f: {  	s29 =	simm.s32 $0x0;
	s30 =	simm.s32 $0x5170;
	v20 =	vsub.f32 $0.0e+00, v63;
	[tilespmem:v12+s24+$0x0] =	vst.idx.msk $0xffff, v19  }
0x90: {  	s31 =	simm.s32 $0x4970;
	s20 =	simm.s32 $0x800;
	s21 =	simm.s32 $0x1970;
	[tilespmem:v13+s24+$0x0] =	vst.idx.msk $0xffff, v18  }
0x91: {  	s26 =	simm.s32 $0x0;
	s0 =	simm.s32 $0x1000;
	s1 =	simm.s32 $0x4170;
	[tilespmem:v14+s24+$0x0] =	vst.idx.msk $0xffff, v20  }
.LBB2_4:
0x92: {  	_ =	sdelay $0x1  }
0x93: {  	s4 =	sshll.u32 s26, $0x2  }
0x94: {  	v18 =	vmov s29;
	s4 =	sand.u32 $0x30, s4  }
0x95: {  	v19 =	vmov s20;
	v32 =	vld.idx.msk [tilespmem:v16+s4+$0x0 ss:$0x1], $0xffff;
	_ =	sdelay $0x2  }
0x96: {  	v20 =	vmov s0;
	s4 =	simm.s32 $0x0  }
0x97: {  	v30 =	vld.idx.msk [tilespmem:v18+s4+$0x0 ss:$0x1], $0xffff  }
0x98: {  	v31 =	vld.idx.msk [tilespmem:v19+s4+$0x0 ss:$0x1], $0xffff;
	v21 =	vbroadcast v32, $0x0  }
0x99: {  	v22 =	vbroadcast v32, $0x1;
	v23 =	vbroadcast v32, $0x2  }
0x9a: {  	v24 =	vbroadcast v32, $0x3;
	v25 =	vbroadcast v32, $0x4  }
0x9b: {  	v33 =	vld.idx.msk [tilespmem:v20+s4+$0x0 ss:$0x1], $0xffff;
	v26 =	vbroadcast v32, $0x5;
	v27 =	vbroadcast v32, $0x6  }
0x9c: {  	v28 =	vbroadcast v32, $0x7;
	v29 =	vbroadcast v32, $0x8  }
0x9d: {  	v34 =	vmul.f32 v30, v21;
	v35 =	vmul.f32 v31, v22  }
0x9e: {  	v36 =	vmul.f32 v30, v24;
	v37 =	vmul.f32 v31, v25  }
0x9f: {  	v38 =	vmul.f32 v30, v27;
	v31 =	vmul.f32 v31, v28  }
0xa0: {  	v47 =	vmul.f32 v33, v23;
	v48 =	vmul.f32 v33, v26;
	v34 =	vadd.f32 v35, v34  }
0xa1: {  	v33 =	vmul.f32 v33, v29;
	v36 =	vadd.f32 v37, v36;
	v38 =	vadd.f32 v31, v38  }
0xa2: {  	v30 =	vbroadcast v32, $0x9;
	v31 =	vbroadcast v32, $0xA;
	v34 =	vadd.f32 v47, v34  }
0xa3: {  	v32 =	vbroadcast v32, $0xB;
	v49 =	vadd.f32 v48, v36;
	v33 =	vadd.f32 v33, v38  }
0xa4: {  	v50 =	vadd.f32 v34, v30  }
0xa5: {  	v51 =	vadd.f32 v49, v31;
	v39 =	vadd.f32 v33, v32  }
0xa6: {  	v52 =	vadd.f32 $5.000000000e-01, v50  }
0xa7: {  	v53 =	vadd.f32 $5.000000000e-01, v51;
	v54 =	vadd.f32 $5.000000000e-01, v39  }
0xa8: {  	v55 =	vmul.f32 $3.200000000e+01, v52  }
0xa9: {  	v34 =	vmul.f32 $3.200000000e+01, v53;
	v40 =	vmul.f32 $3.200000000e+01, v54  }
0xaa: {  	v33 =	vmov s1;
	v41 =	vadd.f32 $-5.000000000e-01, v55  }
0xab: {  	v35 =	vmov s31;
	v42 =	vadd.f32 $-5.000000000e-01, v34;
	v40 =	vadd.f32 $-5.000000000e-01, v40  }
0xac: {  	v36 =	vmov s30;
	v34 =	vmov s21;
	v43 =	vtrunc.f32 v41  }
0xad: {  	v44 =	vtrunc.f32 v42;
	v56 =	vtrunc.f32 v40;
	vm0 =	vgt.f32 v41, v43  }
0xae: {  	vm1 =	vgt.f32 v42, v44;
	v57 =	vcvt.f32.s32 v44;
	vm15 =	vgt.f32 v40, v56  }
0xaf: {  	[tilespmem:v33+s4+$0x0 ss:$0x1] =	vst.idx.msk $0xffff, v50;
	v59 =	vcvt.f32.s32 v56;
	v60 =	vcvt.f32.s32 v43;
	v58 =	vsel vm1, $0x1, v15  }
0xb0: {  	s5 =	sshll.u32 s26, $0x7;
	[tilespmem:v35+s4+$0x0 ss:$0x1] =	vst.idx.msk $0xffff, v51;
	v61 =	vsel vm0, $0x1, v15;
	v63 =	vsel vm15, $0x1, v15;
	v62 =	vadd.s32 v57, v58  }
0xb1: {  	s7 =	simm.s32 $0x40;
	s6 =	sadd.s32 $0x1970, s5;
	[tilespmem:v36+s4+$0x0 ss:$0x1] =	vst.idx.msk $0xffff, v39;
	v37 =	vadd.s32 v60, v61;
	v39 =	vadd.s32 v59, v63;
	v38 =	vshll.u32 v62, $0x5  }
.LBB2_5:
0xb2: {  	p0 =	sne.s32 s7, $0x1C0;
	v37 =	vshll.u32 v37, $0xA;
	v38 =	vadd.s32 v38, v39;
	s8 =	smov.u32 s7;
	s7 =	sadd.s32 $0x40, s7  }
0xb3: {  	v37 =	vadd.s32 v37, v38  }
0xb4: {  	s8 =	sshra.s32 s8, $0x2;
	vm0 =	vgt.s32 v37, $0x0  }
0xb5: {  	v37 =	vnsel vm0, $0x0, v37  }
0xb6: {  	v37 =	vmin.u32 v37, $0x7FFF  }
0xb7: {  	[tilespmem:v34+s4+$0x0 ss:$0x1] =	vst.idx.msk $0xffff, v37;
	s4 =	smov.u32 s8  }
0xb8: {  	v37 =	vld.idx.msk [tilespmem:v18+s4+$0x0 ss:$0x1], $0xffff  }
0xb9: {  	v38 =	vld.idx.msk [tilespmem:v19+s4+$0x0 ss:$0x1], $0xffff;
	_ =	sdelay $0x1  }
0xba: {  	v39 =	vld.idx.msk [tilespmem:v20+s4+$0x0 ss:$0x1], $0xffff;
	_ =	sdelay $0x2  }
0xbb: {  	v40 =	vmul.f32 v37, v21;
	v41 =	vmul.f32 v37, v24  }
0xbc: {  	v42 =	vmul.f32 v38, v22;
	v43 =	vmul.f32 v38, v25  }
0xbd: {  	v37 =	vmul.f32 v37, v27;
	v38 =	vmul.f32 v38, v28  }
0xbe: {  	v40 =	vadd.f32 v42, v40;
	v42 =	vmul.f32 v39, v23;
	v41 =	vadd.f32 v43, v41  }
0xbf: {  	v43 =	vmul.f32 v39, v26;
	v37 =	vadd.f32 v38, v37;
	v38 =	vmul.f32 v39, v29  }
0xc0: {  	v39 =	vadd.f32 v42, v40  }
0xc1: {  	v40 =	vadd.f32 v43, v41;
	v37 =	vadd.f32 v38, v37  }
0xc2: {  	v38 =	vadd.f32 v39, v30  }
0xc3: {  	v39 =	vadd.f32 v40, v31;
	v37 =	vadd.f32 v37, v32  }
0xc4: {  	v40 =	vadd.f32 $5.000000000e-01, v38;
	[tilespmem:v33+s4+$0x0 ss:$0x1] =	vst.idx.msk $0xffff, v38  }
0xc5: {  	v41 =	vadd.f32 $5.000000000e-01, v37;
	v38 =	vadd.f32 $5.000000000e-01, v39;
	[tilespmem:v35+s4+$0x0 ss:$0x1] =	vst.idx.msk $0xffff, v39  }
0xc6: {  	v39 =	vmul.f32 $3.200000000e+01, v40;
	[tilespmem:v36+s4+$0x0 ss:$0x1] =	vst.idx.msk $0xffff, v37  }
0xc7: {  	v37 =	vmul.f32 $3.200000000e+01, v38;
	v38 =	vmul.f32 $3.200000000e+01, v41  }
0xc8: {  	v39 =	vadd.f32 $-5.000000000e-01, v39  }
0xc9: {  	v37 =	vadd.f32 $-5.000000000e-01, v37;
	v38 =	vadd.f32 $-5.000000000e-01, v38  }
0xca: {  	v40 =	vtrunc.f32 v39  }
.Ltmp1:
0xcb: {  	vm0 =	vgt.f32 v39, v40;
	v39 =	vtrunc.f32 v37;
	v41 =	vtrunc.f32 v38;
	(pc) =	sbr.rel @p0 .LBB2_5-.Ltmp1, $4  }
0xcc: {  	v42 =	vcvt.f32.s32 v39;
	vm1 =	vgt.f32 v37, v39;
	v39 =	vcvt.f32.s32 v41  }
0xcd: {  	v37 =	vcvt.f32.s32 v40;
	v40 =	vsel vm1, $0x1, v15;
	vm1 =	vgt.f32 v38, v41  }
0xce: {  	v38 =	vsel vm0, $0x1, v15;
	v40 =	vadd.s32 v42, v40;
	v41 =	vsel vm1, $0x1, v15  }
0xcf: {  	v37 =	vadd.s32 v37, v38;
	v38 =	vshll.u32 v40, $0x5;
	v39 =	vadd.s32 v39, v41  }
0xd0: {  	v18 =	vshll.u32 v37, $0xA;
	v19 =	vadd.s32 v38, v39  }
0xd1: {  	v18 =	vadd.s32 v18, v19  }
0xd2: {  	vm0 =	vgt.s32 v18, $0x0  }
0xd3: {  	v18 =	vnsel vm0, $0x0, v18  }
0xd4: {  	v18 =	vmin.u32 v18, $0x7FFF  }
0xd5: {  	s7 =	sadd.s32 $0x2170, s5;
	s26 =	sadd.s32 $0x1, s26;
	[tilespmem:v34+s4+$0x0 ss:$0x1] =	vst.idx.msk $0xffff, v18  }
0xd6: {  	[tilespmem:s7], [sflag:$0x1] =	stream.indirect.gather [hbm4b:s13+s25], $0x1, s6, s25, $0xb8;
	[tilespmem:$0x5A20] =	vst v63  }
0xd7: {  	s8 =	sadd.s32 $0x2970, s5;
	s30 =	sadd.s32 $0x80, s30;
	p0 =	sne.s32 s26, $0x10  }
0xd8: {  	[tilespmem:s8], [sflag:$0x1] =	stream.indirect.gather [hbm4b:s14+s25], $0x1, s6, s25, $0xb8;
	[tilespmem:$0x5A20] =	vst v63  }
.Ltmp2:
0xd9: {  	s31 =	sadd.s32 $0x80, s31;
	s1 =	sadd.s32 $0x80, s1;
	(pc) =	sbr.rel @p0 .LBB2_4-.Ltmp2, $4  }
0xda: {  	s0 =	sadd.s32 $0x80, s0;
	s20 =	sadd.s32 $0x80, s20;
	s7 =	sadd.s32 $0x3170, s5  }
0xdb: {  	[tilespmem:s7], [sflag:$0x1] =	stream.indirect.gather [hbm4b:s15+s25], $0x1, s6, s25, $0xb8;
	[tilespmem:$0x5A20] =	vst v63  }
0xdc: {  	s29 =	sadd.s32 $0x80, s29;
	s21 =	sadd.s32 $0x80, s21;
	s8 =	sadd.s32 $0x3970, s5  }
0xdd: {  	[tilespmem:s8], [sflag:$0x1] =	stream.indirect.gather [hbm4b:s16+s25], $0x1, s6, s25, $0xb8;
	[tilespmem:$0x5A20] =	vst v63  }
0xde: {  	s0 =	simm.s32 $0x0;
	s1 =	simm.s32 $0x4170  }
0xdf: {  	s4 =	simm.s32 $0x4970;
	s20 =	simm.s32 $0x5170;
	s21 =	simm.s32 $0x3170  }
0xe0: {  	v18 =	vimm.f32 $0.0e+00;
	s26 =	simm.s32 $0x2970;
	s29 =	simm.s32 $0x2170;
	s30 =	simm.s32 $0x3970  }
.LBB2_8:
0xe1: {  	_ =	swait.ge [sflag:s3], $0x80  }
0xe2: {  	[sflag:s3] =	ssyncset.done $0x0  }
0xe3: {  	[sflag:s3] =	ssyncadd.s32 $0xFFFFFF80  }
0xe4: {  	_ =	swait.ge [sflag:s3], $0x80  }
0xe5: {  	[sflag:s3] =	ssyncset.done $0x0  }
0xe6: {  	[sflag:s3] =	ssyncadd.s32 $0xFFFFFF80  }
0xe7: {  	_ =	swait.ge [sflag:s3], $0x80  }
0xe8: {  	v19 =	vmov s20;
	[sflag:s3] =	ssyncset.done $0x0  }
0xe9: {  	v20 =	vmov s30;
	[sflag:s3] =	ssyncadd.s32 $0xFFFFFF80  }
0xea: {  	v21 =	vmov s1;
	_ =	swait.ge [sflag:s3], $0x80  }
0xeb: {  	v22 =	vmov s29;
	[sflag:s3] =	ssyncset.done $0x0  }
0xec: {  	v23 =	vmov s4;
	s5 =	simm.s32 $0x0;
	[sflag:s3] =	ssyncadd.s32 $0xFFFFFF80  }
0xed: {  	v24 =	vmov s26;
	v27 =	vld.idx.msk [tilespmem:v19+s5+$0x0 ss:$0x1], $0xffff  }
0xee: {  	v25 =	vmov s21;
	v28 =	vld.idx.msk [tilespmem:v20+s5+$0x0 ss:$0x1], $0xffff  }
0xef: {  	v29 =	vld.idx.msk [tilespmem:v21+s5+$0x0 ss:$0x1], $0xffff  }
0xf0: {  	v30 =	vld.idx.msk [tilespmem:v22+s5+$0x0 ss:$0x1], $0xffff  }
0xf1: {  	v31 =	vld.idx.msk [tilespmem:v23+s5+$0x0 ss:$0x1], $0xffff  }
0xf2: {  	v32 =	vld.idx.msk [tilespmem:v24+s5+$0x0 ss:$0x1], $0xffff  }
0xf3: {  	s6 =	simm.s32 $0x10;
	v33 =	vld.idx.msk [tilespmem:v25+s5+$0x0 ss:$0x1], $0xffff  }
0xf4: {  	v26 =	vld.idx.msk [tilespmem:v19+s6+$0x0 ss:$0x1], $0xffff  }
0xf5: {  	v34 =	vld.idx.msk [tilespmem:v20+s6+$0x0 ss:$0x1], $0xffff  }
0xf6: {  	v36 =	vld.idx.msk [tilespmem:v21+s6+$0x0 ss:$0x1], $0xffff  }
0xf7: {  	v37 =	vld.idx.msk [tilespmem:v22+s6+$0x0 ss:$0x1], $0xffff;
	v35 =	vsub.f32 $1.000000000e+00, v28  }
0xf8: {  	v38 =	vld.idx.msk [tilespmem:v23+s6+$0x0 ss:$0x1], $0xffff;
	v29 =	vsub.f32 v29, v30;
	v30 =	vsub.f32 v31, v32  }
0xf9: {  	v39 =	vld.idx.msk [tilespmem:v24+s6+$0x0 ss:$0x1], $0xffff;
	v63 =	vsub.f32 v27, v33  }
0xfa: {  	s5 =	simm.s32 $0x20;
	v28 =	vld.idx.msk [tilespmem:v25+s6+$0x0 ss:$0x1], $0xffff;
	v31 =	vmul.f32 v29, v35;
	v30 =	vmul.f32 v30, v35  }
0xfb: {  	v27 =	vld.idx.msk [tilespmem:v19+s5+$0x0 ss:$0x1], $0xffff;
	v32 =	vmul.f32 v63, v35  }
0xfc: {  	v29 =	vld.idx.msk [tilespmem:v20+s5+$0x0 ss:$0x1], $0xffff;
	v40 =	vmul.f32 v31, v31;
	v41 =	vmul.f32 v30, v30  }
0xfd: {  	v30 =	vld.idx.msk [tilespmem:v21+s5+$0x0 ss:$0x1], $0xffff  }
0xfe: {  	v33 =	vsub.f32 $1.000000000e+00, v34;
	v31 =	vld.idx.msk [tilespmem:v22+s5+$0x0 ss:$0x1], $0xffff;
	v35 =	vmul.f32 v32, v32;
	v34 =	vadd.f32 v41, v40  }
0xff: {  	s6 =	simm.s32 $0xC0;
	v36 =	vsub.f32 v36, v37;
	v37 =	vsub.f32 v38, v39;
	v32 =	vld.idx.msk [tilespmem:v23+s5+$0x0 ss:$0x1], $0xffff  }
.LBB2_9:
0x100: {  	p0 =	sne.s32 s6, $0x1C0;
	v38 =	vld.idx.msk [tilespmem:v24+s5+$0x0 ss:$0x1], $0xffff;
	v39 =	vsub.f32 v26, v28;
	v34 =	vadd.f32 v35, v34  }
0x101: {  	v26 =	vmov v27;
	v28 =	vld.idx.msk [tilespmem:v25+s5+$0x0 ss:$0x1], $0xffff;
	s5 =	sshra.s32 s6, $0x2;
	v35 =	vmul.f32 v36, v33;
	v40 =	vmul.f32 v37, v33  }
.Ltmp3:
0x102: {  	v27 =	vld.idx.msk [tilespmem:v19+s5+$0x0 ss:$0x1], $0xffff;
	v37 =	vmul.f32 v39, v33;
	v18 =	vadd.f32 v34, v18;
	v33 =	vmov v29;
	(pc) =	sbr.rel @p0 .LBB2_9-.Ltmp3, $4  }
0x103: {  	v36 =	vmov v30;
	v29 =	vld.idx.msk [tilespmem:v20+s5+$0x0 ss:$0x1], $0xffff;
	v34 =	vmul.f32 v35, v35;
	v35 =	vmul.f32 v40, v40  }
0x104: {  	v30 =	vld.idx.msk [tilespmem:v21+s5+$0x0 ss:$0x1], $0xffff;
	v39 =	vmov v31  }
0x105: {  	v33 =	vsub.f32 $1.000000000e+00, v33;
	v31 =	vld.idx.msk [tilespmem:v22+s5+$0x0 ss:$0x1], $0xffff;
	v34 =	vadd.f32 v35, v34;
	v35 =	vmul.f32 v37, v37  }
0x106: {  	s6 =	sadd.s32 $0x40, s6;
	v36 =	vsub.f32 v36, v39;
	v37 =	vsub.f32 v32, v38;
	v32 =	vld.idx.msk [tilespmem:v23+s5+$0x0 ss:$0x1], $0xffff  }
0x107: {  	_ =	sdelay $0x3  }
0x108: {  	v19 =	vld.idx.msk [tilespmem:v24+s5+$0x0 ss:$0x1], $0xffff  }
0x109: {  	v20 =	vld.idx.msk [tilespmem:v25+s5+$0x0 ss:$0x1], $0xffff;
	_ =	sdelay $0x1  }
0x10a: {  	v21 =	vsub.f32 v26, v28  }
0x10b: {  	v22 =	vmul.f32 v36, v33;
	v23 =	vmul.f32 v37, v33;
	v60 =	vsub.f32 $1.000000000e+00, v29  }
0x10c: {  	v21 =	vmul.f32 v21, v33;
	v61 =	vsub.f32 v30, v31;
	v19 =	vsub.f32 v32, v19  }
0x10d: {  	v22 =	vmul.f32 v22, v22;
	v23 =	vmul.f32 v23, v23;
	v20 =	vsub.f32 v27, v20  }
0x10e: {  	v25 =	vmul.f32 v61, v60;
	v19 =	vmul.f32 v19, v60  }
0x10f: {  	v62 =	vadd.f32 v35, v34;
	v21 =	vmul.f32 v21, v21;
	v20 =	vmul.f32 v20, v60  }
0x110: {  	s0 =	sadd.s32 $0x1, s0;
	v22 =	vadd.f32 v23, v22;
	v63 =	vmul.f32 v25, v25;
	v19 =	vmul.f32 v19, v19  }
0x111: {  	p0 =	sne.s32 s0, $0x10;
	v18 =	vadd.f32 v62, v18  }
.Ltmp4:
0x112: {  	v21 =	vadd.f32 v21, v22;
	v20 =	vmul.f32 v20, v20;
	v19 =	vadd.f32 v19, v63;
	(pc) =	sbr.rel @p0 .LBB2_8-.Ltmp4, $4  }
0x113: {  	_ = 	snop  }
0x114: {  	s1 =	sadd.s32 $0x80, s1;
	v18 =	vadd.f32 v21, v18;
	v19 =	vadd.f32 v20, v19  }
0x115: {  	s4 =	sadd.s32 $0x80, s4;
	s20 =	sadd.s32 $0x80, s20;
	s21 =	sadd.s32 $0x80, s21  }
0x116: {  	s26 =	sadd.s32 $0x80, s26;
	s29 =	sadd.s32 $0x80, s29;
	s30 =	sadd.s32 $0x80, s30;
	v18 =	vadd.f32 v19, v18  }
0x117: {  	[tilespmem:$0x5980] =	vst v17  }
0x118: {  	[tilespmem:$0x5990] =	vst v17  }
0x119: {  	[tilespmem:$0x59A0] =	vst v17  }
0x11a: {  	[tilespmem:$0x59B0] =	vst v17  }
0x11b: {  	[tilespmem:$0x59C0] =	vst v17  }
0x11c: {  	[tilespmem:$0x59D0] =	vst v17;
	s28 =	sadd.s32 $0x1, s28  }
0x11d: {  	[tilespmem:$0x59E0] =	vst v17;
	p0 =	sne.s32 s28, s18  }
.Ltmp5:
0x11e: {  	s0 =	simm.s32 $0x5970;
	[tilespmem:$0x5970] =	vst v18;
	(pc) =	sbr.rel @p0 .LBB2_1-.Ltmp5, $4  }
0x11f: {  	[hbm4b:s17+s2] =	stream.linear.scatter [tilespmem:s0], [sflag:$0x2], $0x80, $0x38;
	[tilespmem:$0x5A20] =	vst v63  }
0x120: {  	_ =	swait.ge [sflag:s19], $0x80  }
0x121: {  	[sflag:s19] =	ssyncset.done $0x0  }
0x122: {  	[sflag:s19] =	ssyncadd.s32 $0xFFFFFF80  }
0x123: {  	_ =	sfence.sel $0x180000  }
0x124: {  	[bflag:$0x0] =	sbarrier.arrive $0xFFFF  }
0x125: {  	_ =	strace $0x90000047  }
0x126: {  	s0 =	stileid.u32;
	[bflag:$0x2] =	sbarrier.arrive $0xFFFF  }
0x127: {  	p0 =	sne.s32 s0, $0x0;
	s0 =	rddreg [dreg:$0x2]  }
0x128: {  	s0 =	sadd.s32 @!p0 $0x100000, s0  }
0x129: {  	[sflag:s0] =	ssyncadd.tile.s32 @!p0 $0x1;
	_ =	shalt  }
.Lfunc_end2:
_tile_overlayer_lowered:
.L_overlay_start_2:
0x12a: {  	(tag) =	ssettag $0x2  }
0x12b: {  	s0 =	rddreg [dreg:$0x0];
	s2 =	stileid.u32  }
0x12c: {  	s1 =	rddreg [dreg:$0x1];
	p0 =	sne.s32 s2, $0x0  }
0x12d: {  	s3 =	rddreg [dreg:$0x2];
	[bflag:$0x3] =	sbarrier.arrive $0xFFFF;
	s2 =	simm.s32 @!p0 $0x1C02  }
0x12e: {  	[timem:s3], [sflag:s2] =	dma.local @!p0 [hbm:s0], s1  }
0x12f: {  	s0 =	simm.s32 @!p0 $0x2  }
0x130: {  	_ =	swait.ge @!p0 [sflag:s0], s1  }
0x131: {  	s1 =	ssub.s32 @!p0 $0x0, s1;
	[sflag:s0] =	ssyncset.done @!p0 $0x0  }
0x132: {  	[sflag:s0] =	ssyncadd.s32 @!p0 s1  }
0x133: {  	[bflag:$0x3] =	sbarrier.arrive $0xFFFF  }
0x134: {  	_ =	shalt  }

</sc_bundles>
